<compile_context>
chip_gen: v7x
topology: tpu7x:2x2x1
jax: 0.10.2.dev20260603
libtpu: 0.0.44.dev20260713+nightly
codegen_flags: <defaults>
</compile_context>

<pallas_src>
import functools

import jax
import jax.numpy as jnp
from jax import lax
from jax.experimental import pallas as pl
from jax.experimental.pallas import tpu as pltpu
from jax.experimental.pallas import tpu_sc as plsc

HD = 192
ED = 64
NBATCH = 1024
PP = 2
TB = PP * NBATCH
CH = 128


def _sc_gather6(tables, idxs, T):
    info = plsc.get_sparse_core_info()
    NC, NS = info.num_cores, info.num_subcores
    NW = NC * NS
    per_w = T // NW
    n_ch = per_w // CH
    mesh = plsc.VectorSubcoreMesh(core_axis_name="c", subcore_axis_name="s")

    @functools.partial(
        pl.kernel,
        mesh=mesh,
        compiler_params=pltpu.CompilerParams(use_tc_tiling_on_sc=False),
        out_type=[jax.ShapeDtypeStruct((T, ED), jnp.float32) for _ in range(6)],
        scratch_types=(
            [pltpu.VMEM((CH,), jnp.int32) for _ in range(6)]
            + [pltpu.VMEM((CH, ED), jnp.float32) for _ in range(6)]
            + [pltpu.SemaphoreType.DMA, pltpu.SemaphoreType.DMA,
               pltpu.SemaphoreType.DMA]
        ),
    )
    def k(t0, t1, t2, t3, t4, t5, i0, i1, i2, i3, i4, i5,
          o0, o1, o2, o3, o4, o5, v0, v1, v2, v3, v4, v5,
          r0, r1, r2, r3, r4, r5, sem_i, sem_g, sem_w):
        tabs = (t0, t1, t2, t3, t4, t5)
        idxv = (v0, v1, v2, v3, v4, v5)
        rows = (r0, r1, r2, r3, r4, r5)
        outs = (o0, o1, o2, o3, o4, o5)
        wid = lax.axis_index("s") * NC + lax.axis_index("c")
        base = wid * per_w

        def body(c, carry):
            off = base + c * CH
            loads = [
                pltpu.async_copy(idx.at[pl.ds(off, CH)], v, sem_i)
                for idx, v in zip((i0, i1, i2, i3, i4, i5), idxv)
            ]
            for cp in loads:
                cp.wait()
            gathers = [
                pltpu.async_copy(tabs[f].at[idxv[f]], rows[f], sem_g)
                for f in range(6)
            ]
            for cp in gathers:
                cp.wait()
            writes = [
                pltpu.async_copy(rows[f], outs[f].at[pl.ds(off, CH)], sem_w)
                for f in range(6)
            ]
            for cp in writes:
                cp.wait()
            return carry

        lax.fori_loop(0, n_ch, body, 0)

    return k(*tables, *idxs)


def _tc_body(el_r, td_r, gn, ga, gt, gg, gu, gi,
             wci, wca, wct, wcg, wcu, wcit, wea, wet, weg,
             wcel, wctd, weel, wetd, bc, be, eo, xo):
    f32 = jnp.float32
    fields = (gn, ga, gt, gg, gu, gi)
    wx = (wci, wca, wct, wcg, wcu, wcit)
    we = (wea, wet, weg)
    for p in range(PP):
        sl = slice(p * ED, (p + 1) * ED)
        x = jnp.dot(fields[0][...][:, sl], wx[0][...],
                    preferred_element_type=f32)
        for f in range(1, 6):
            x += jnp.dot(fields[f][...][:, sl], wx[f][...],
                         preferred_element_type=f32)
        e = jnp.dot(fields[1][...][:, sl], we[0][...],
                    preferred_element_type=f32)
        e += jnp.dot(fields[2][...][:, sl], we[1][...],
                     preferred_element_type=f32)
        e += jnp.dot(fields[3][...][:, sl], we[2][...],
                     preferred_element_type=f32)
        el = el_r[0, p, :][:, None]
        td = td_r[0, p, :][:, None]
        x += el * wcel[...]
        x += td * wctd[...]
        x += bc[...]
        e += el * weel[...]
        e += td * wetd[...]
        e += be[...]
        xo[p] = x.T
        eo[p] = e.T


def _tc_project(el3, td3, gs, wblocks, T, S):
    NB = T // TB
    pair_spec = pl.BlockSpec((TB // 2, 2 * ED), lambda i: (i, 0))
    tok_spec = pl.BlockSpec((1, PP, NBATCH), lambda i: (i, 0, 0))
    full = lambda s: pl.BlockSpec(s, lambda i: (0, 0))
    in_specs = (
        [tok_spec, tok_spec]
        + [pair_spec] * 6
        + [full(w.shape) for w in wblocks]
    )
    out_specs = [pl.BlockSpec((PP, HD, NBATCH), lambda i: (i, 0, 0))] * 2
    out_shape = [jax.ShapeDtypeStruct((S, HD, NBATCH), jnp.float32)] * 2
    return pl.pallas_call(
        _tc_body,
        grid=(NB,),
        in_specs=in_specs,
        out_specs=out_specs,
        out_shape=out_shape,
    )(el3, td3, *gs, *wblocks)


def kernel(interaction, user_idx, item_idx, assessmentItemID, testId, KnowledgeTag,
           elapsed, time_diff, user_emb, item_emb, emb_interaction, emb_assess,
           emb_test, emb_tag, W_comb, b_comb, W_enc, b_enc):
    B, S = interaction.shape
    T = B * S
    NB = T // TB

    i32 = jnp.int32

    def _stream(z):
        return (z.T.reshape(NB, PP, NBATCH).transpose(0, 2, 1)
                .reshape(-1).astype(i32))

    idx_n = _stream(interaction)
    idx_a = _stream(assessmentItemID)
    idx_t = _stream(testId)
    idx_g = _stream(KnowledgeTag)
    idx_u = _stream(user_idx)
    idx_i = _stream(item_idx)

    emb_inter8 = jnp.concatenate(
        [emb_interaction, jnp.zeros((5, ED), jnp.float32)], axis=0)
    gs = _sc_gather6(
        (emb_inter8, emb_assess, emb_test, emb_tag, user_emb, item_emb),
        (idx_n, idx_a, idx_t, idx_g, idx_u, idx_i), T)
    gs = [g.reshape(T // 2, 2 * ED) for g in gs]

    el3 = elapsed.T.reshape(NB, PP, NBATCH)
    td3 = time_diff.T.reshape(NB, PP, NBATCH)

    wblocks = (
        W_comb[0:64],
        W_comb[64:128],
        W_comb[128:192],
        W_comb[192:256],
        W_comb[258:322],
        W_comb[322:386],
        W_enc[0:64],
        W_enc[64:128],
        W_enc[128:192],
        W_comb[256:257],
        W_comb[257:258],
        W_enc[192:193],
        W_enc[193:194],
        b_comb.reshape(1, HD),
        b_enc.reshape(1, HD),
    )
    enc_x, x = _tc_project(el3, td3, gs, wblocks, T, S)
    return (jnp.transpose(enc_x, (2, 0, 1)), jnp.transpose(x, (2, 0, 1)))

# --- scband reference (transcript-rebuilt; emitter-appended) ---
"""Pipeline reference for scband-model-base-57569741636113 (READ-ONLY COPY).

The authoritative reference and input builder live on the scoring server;
editing this copy changes nothing except your own understanding.
"""

import jax, jax.numpy as jnp
import numpy as np

B, S = 1024, 200
HD = 192
INTD = 64  # hidden_dim // 3
N_USER = 100000
N_ITEM = 100000
N_ASSESS = 100000
N_TEST = 10000
N_TAG = 1000
USER_EMB_DIM = 64
ITEM_EMB_DIM = 64
# total_embedding_dim = intd*(len(cat_cols)+1) + len(con_cols) + user_emb_dim + item_emb_dim
TOTAL_IN = INTD * 4 + 2 + USER_EMB_DIM + ITEM_EMB_DIM  # 386
ENC_IN = INTD * 3 + 2  # 194


def setup_inputs(seed: int = 0) -> dict:
    key = jax.random.key(seed)
    ks = jax.random.split(key, 20)
    interaction = jax.random.randint(ks[0], (B, S), 0, 3, dtype=jnp.int64 if jax.config.jax_enable_x64 else jnp.int32)
    user_idx = jax.random.randint(ks[1], (B, S), 0, N_USER)
    item_idx = jax.random.randint(ks[2], (B, S), 0, N_ITEM)
    assessmentItemID = jax.random.randint(ks[3], (B, S), 0, N_ASSESS)
    testId = jax.random.randint(ks[4], (B, S), 0, N_TEST)
    KnowledgeTag = jax.random.randint(ks[5], (B, S), 0, N_TAG)
    elapsed = jax.random.uniform(ks[6], (B, S), dtype=jnp.float32)
    time_diff = jax.random.uniform(ks[7], (B, S), dtype=jnp.float32)
    # learned / pre-trained parameters
    user_emb = jax.random.normal(ks[8], (N_USER, USER_EMB_DIM), dtype=jnp.float32) * 0.02
    item_emb = jax.random.normal(ks[9], (N_ITEM, ITEM_EMB_DIM), dtype=jnp.float32) * 0.02
    emb_interaction = jax.random.normal(ks[10], (3, INTD), dtype=jnp.float32) * 0.02
    emb_assess = jax.random.normal(ks[11], (N_ASSESS + 1, INTD), dtype=jnp.float32) * 0.02
    emb_test = jax.random.normal(ks[12], (N_TEST + 1, INTD), dtype=jnp.float32) * 0.02
    emb_tag = jax.random.normal(ks[13], (N_TAG + 1, INTD), dtype=jnp.float32) * 0.02
    W_comb = jax.random.normal(ks[14], (TOTAL_IN, HD), dtype=jnp.float32) * (1.0 / np.sqrt(TOTAL_IN))
    b_comb = jnp.zeros((HD,), dtype=jnp.float32)
    W_enc = jax.random.normal(ks[15], (ENC_IN, HD), dtype=jnp.float32) * (1.0 / np.sqrt(ENC_IN))
    b_enc = jnp.zeros((HD,), dtype=jnp.float32)
    return {
        "interaction": interaction, "user_idx": user_idx, "item_idx": item_idx,
        "assessmentItemID": assessmentItemID, "testId": testId, "KnowledgeTag": KnowledgeTag,
        "elapsed": elapsed, "time_diff": time_diff,
        "user_emb": user_emb, "item_emb": item_emb,
        "emb_interaction": emb_interaction, "emb_assess": emb_assess,
        "emb_test": emb_test, "emb_tag": emb_tag,
        "W_comb": W_comb, "b_comb": b_comb, "W_enc": W_enc, "b_enc": b_enc,
    }


def reference(interaction, user_idx, item_idx, assessmentItemID, testId, KnowledgeTag,
              elapsed, time_diff, user_emb, item_emb, emb_interaction, emb_assess,
              emb_test, emb_tag, W_comb, b_comb, W_enc, b_enc):
    batch_size, seq_len = interaction.shape
    # pre-trained embedding gathers (self.user_emb[user_indices].view(B, S, -1))
    user_emb_batch = jnp.take(user_emb, user_idx, axis=0).reshape(batch_size, seq_len, -1)
    item_emb_batch = jnp.take(item_emb, item_idx, axis=0).reshape(batch_size, seq_len, -1)
    # categorical embedding lookups
    embed_interaction = jnp.take(emb_interaction, interaction, axis=0)
    e_assess = jnp.take(emb_assess, assessmentItemID, axis=0)
    e_test = jnp.take(emb_test, testId, axis=0)
    e_tag = jnp.take(emb_tag, KnowledgeTag, axis=0)
    embed_cat_feats = [e_assess, e_test, e_tag]
    # continuous features
    con_feats = [elapsed[:, :, None], time_diff[:, :, None]]
    enc_embed = jnp.concatenate(embed_cat_feats, axis=2)
    embed = jnp.concatenate([embed_interaction, *embed_cat_feats, *con_feats,
                             user_emb_batch, item_emb_batch], axis=2).astype(jnp.float32)
    enc_embed = jnp.concatenate([enc_embed, *con_feats], axis=2).astype(jnp.float32)
    X = embed @ W_comb + b_comb
    enc_X = enc_embed @ W_enc + b_enc
    return (enc_X, X)

if __name__ == "__main__":
    import jax
    _d = setup_inputs()
    print(jax.jit(kernel)(*tuple(_d.values())))

</pallas_src>

<mosaic_0001>
#map = affine_map<(d0, d1) -> (0, 0)>
#map1 = affine_map<(d0, d1) -> (0)>
module attributes {stable_mosaic.version = 14 : i64} {
  func.func @k(%arg0: i32, %arg1: i32, %arg2: memref<8x64xf32, #tpu.memory_space<hbm>>, %arg3: memref<100001x64xf32, #tpu.memory_space<hbm>>, %arg4: memref<10001x64xf32, #tpu.memory_space<hbm>>, %arg5: memref<1001x64xf32, #tpu.memory_space<hbm>>, %arg6: memref<100000x64xf32, #tpu.memory_space<hbm>>, %arg7: memref<100000x64xf32, #tpu.memory_space<hbm>>, %arg8: memref<204800xi32, #tpu.memory_space<hbm>>, %arg9: memref<204800xi32, #tpu.memory_space<hbm>>, %arg10: memref<204800xi32, #tpu.memory_space<hbm>>, %arg11: memref<204800xi32, #tpu.memory_space<hbm>>, %arg12: memref<204800xi32, #tpu.memory_space<hbm>>, %arg13: memref<204800xi32, #tpu.memory_space<hbm>>, %arg14: memref<204800x64xf32, #tpu.memory_space<hbm>>, %arg15: memref<204800x64xf32, #tpu.memory_space<hbm>>, %arg16: memref<204800x64xf32, #tpu.memory_space<hbm>>, %arg17: memref<204800x64xf32, #tpu.memory_space<hbm>>, %arg18: memref<204800x64xf32, #tpu.memory_space<hbm>>, %arg19: memref<204800x64xf32, #tpu.memory_space<hbm>>, %arg20: memref<128xi32, #tpu.memory_space<vmem>>, %arg21: memref<128xi32, #tpu.memory_space<vmem>>, %arg22: memref<128xi32, #tpu.memory_space<vmem>>, %arg23: memref<128xi32, #tpu.memory_space<vmem>>, %arg24: memref<128xi32, #tpu.memory_space<vmem>>, %arg25: memref<128xi32, #tpu.memory_space<vmem>>, %arg26: memref<128x64xf32, #tpu.memory_space<vmem>>, %arg27: memref<128x64xf32, #tpu.memory_space<vmem>>, %arg28: memref<128x64xf32, #tpu.memory_space<vmem>>, %arg29: memref<128x64xf32, #tpu.memory_space<vmem>>, %arg30: memref<128x64xf32, #tpu.memory_space<vmem>>, %arg31: memref<128x64xf32, #tpu.memory_space<vmem>>, %arg32: memref<!tpu.dma_semaphore, #tpu.memory_space<semaphore_mem>>, %arg33: memref<!tpu.dma_semaphore, #tpu.memory_space<semaphore_mem>>, %arg34: memref<!tpu.dma_semaphore, #tpu.memory_space<semaphore_mem>>) attributes {dimension_semantics = [#tpu.dimension_semantics<core_parallel>, #tpu.dimension_semantics<subcore_parallel>], iteration_bounds = array<i64: 2, 16>, scalar_prefetch = 0 : i64, scratch_operands = 15 : i64, tpu.core_type = #tpu.core_type<sc_vector_subcore>, window_params = [{transform_indices = #map}, {transform_indices = #map}, {transform_indices = #map}, {transform_indices = #map}, {transform_indices = #map}, {transform_indices = #map}, {transform_indices = #map1}, {transform_indices = #map1}, {transform_indices = #map1}, {transform_indices = #map1}, {transform_indices = #map1}, {transform_indices = #map1}, {transform_indices = #map}, {transform_indices = #map}, {transform_indices = #map}, {transform_indices = #map}, {transform_indices = #map}, {transform_indices = #map}]} {
    %mul3A = arith.constant 2 : i32
    %mul3A_0 = arith.muli %arg1, %mul3A : i32
    %add3A = arith.addi %mul3A_0, %arg0 : i32
    %mul3A_1 = arith.constant 6400 : i32
    %mul3A_2 = arith.muli %add3A, %mul3A_1 : i32
    %scan3A = arith.constant 0 : i32
    %scan3A_3 = arith.constant 0 : i32
    %scan3A_4 = arith.constant 50 : i32
    %scan3A_5 = arith.addi %scan3A_3, %scan3A_4 : i32
    %scan3A_6 = arith.constant 1 : i32
    scf.for %scan3A_8 = %scan3A_3 to %scan3A_5 step %scan3A_6  : i32 {
      %mul3A_9 = arith.constant 128 : i32
      %mul3A_10 = arith.muli %scan3A_8, %mul3A_9 : i32
      %add3A_11 = arith.addi %mul3A_2, %mul3A_10 : i32
      %dma_start3A = tpu.memref_slice %arg8[%add3A_11] : memref<204800xi32, #tpu.memory_space<hbm>> -> memref<128xi32, #tpu.memory_space<hbm>>
      %dma_start3A_12 = tpu.memref_slice %arg8[%add3A_11] : memref<204800xi32, #tpu.memory_space<hbm>> -> memref<128xi32, #tpu.memory_space<hbm>>
      tpu.enqueue_dma source(%dma_start3A_12 : memref<128xi32, #tpu.memory_space<hbm>>) target(%arg20 : memref<128xi32, #tpu.memory_space<vmem>>) target_semaphore(%arg32 : memref<!tpu.dma_semaphore, #tpu.memory_space<semaphore_mem>>)
      %dma_start3A_13 = tpu.memref_slice %arg9[%add3A_11] : memref<204800xi32, #tpu.memory_space<hbm>> -> memref<128xi32, #tpu.memory_space<hbm>>
      %dma_start3A_14 = tpu.memref_slice %arg9[%add3A_11] : memref<204800xi32, #tpu.memory_space<hbm>> -> memref<128xi32, #tpu.memory_space<hbm>>
      tpu.enqueue_dma source(%dma_start3A_14 : memref<128xi32, #tpu.memory_space<hbm>>) target(%arg21 : memref<128xi32, #tpu.memory_space<vmem>>) target_semaphore(%arg32 : memref<!tpu.dma_semaphore, #tpu.memory_space<semaphore_mem>>)
      %dma_start3A_15 = tpu.memref_slice %arg10[%add3A_11] : memref<204800xi32, #tpu.memory_space<hbm>> -> memref<128xi32, #tpu.memory_space<hbm>>
      %dma_start3A_16 = tpu.memref_slice %arg10[%add3A_11] : memref<204800xi32, #tpu.memory_space<hbm>> -> memref<128xi32, #tpu.memory_space<hbm>>
      tpu.enqueue_dma source(%dma_start3A_16 : memref<128xi32, #tpu.memory_space<hbm>>) target(%arg22 : memref<128xi32, #tpu.memory_space<vmem>>) target_semaphore(%arg32 : memref<!tpu.dma_semaphore, #tpu.memory_space<semaphore_mem>>)
      %dma_start3A_17 = tpu.memref_slice %arg11[%add3A_11] : memref<204800xi32, #tpu.memory_space<hbm>> -> memref<128xi32, #tpu.memory_space<hbm>>
      %dma_start3A_18 = tpu.memref_slice %arg11[%add3A_11] : memref<204800xi32, #tpu.memory_space<hbm>> -> memref<128xi32, #tpu.memory_space<hbm>>
      tpu.enqueue_dma source(%dma_start3A_18 : memref<128xi32, #tpu.memory_space<hbm>>) target(%arg23 : memref<128xi32, #tpu.memory_space<vmem>>) target_semaphore(%arg32 : memref<!tpu.dma_semaphore, #tpu.memory_space<semaphore_mem>>)
      %dma_start3A_19 = tpu.memref_slice %arg12[%add3A_11] : memref<204800xi32, #tpu.memory_space<hbm>> -> memref<128xi32, #tpu.memory_space<hbm>>
      %dma_start3A_20 = tpu.memref_slice %arg12[%add3A_11] : memref<204800xi32, #tpu.memory_space<hbm>> -> memref<128xi32, #tpu.memory_space<hbm>>
      tpu.enqueue_dma source(%dma_start3A_20 : memref<128xi32, #tpu.memory_space<hbm>>) target(%arg24 : memref<128xi32, #tpu.memory_space<vmem>>) target_semaphore(%arg32 : memref<!tpu.dma_semaphore, #tpu.memory_space<semaphore_mem>>)
      %dma_start3A_21 = tpu.memref_slice %arg13[%add3A_11] : memref<204800xi32, #tpu.memory_space<hbm>> -> memref<128xi32, #tpu.memory_space<hbm>>
      %dma_start3A_22 = tpu.memref_slice %arg13[%add3A_11] : memref<204800xi32, #tpu.memory_space<hbm>> -> memref<128xi32, #tpu.memory_space<hbm>>
      tpu.enqueue_dma source(%dma_start3A_22 : memref<128xi32, #tpu.memory_space<hbm>>) target(%arg25 : memref<128xi32, #tpu.memory_space<vmem>>) target_semaphore(%arg32 : memref<!tpu.dma_semaphore, #tpu.memory_space<semaphore_mem>>)
      %dma_wait3A = tpu.memref_slice %arg8[%add3A_11] : memref<204800xi32, #tpu.memory_space<hbm>> -> memref<128xi32, #tpu.memory_space<hbm>>
      %dma_wait3A_23 = tpu.memref_slice %arg8[%add3A_11] : memref<204800xi32, #tpu.memory_space<hbm>> -> memref<128xi32, #tpu.memory_space<hbm>>
      tpu.wait_dma2 semaphore(%arg32 : memref<!tpu.dma_semaphore, #tpu.memory_space<semaphore_mem>>) src(%dma_wait3A_23 : memref<128xi32, #tpu.memory_space<hbm>>) dst(%arg20 : memref<128xi32, #tpu.memory_space<vmem>>)
      %dma_wait3A_24 = tpu.memref_slice %arg9[%add3A_11] : memref<204800xi32, #tpu.memory_space<hbm>> -> memref<128xi32, #tpu.memory_space<hbm>>
      %dma_wait3A_25 = tpu.memref_slice %arg9[%add3A_11] : memref<204800xi32, #tpu.memory_space<hbm>> -> memref<128xi32, #tpu.memory_space<hbm>>
      tpu.wait_dma2 semaphore(%arg32 : memref<!tpu.dma_semaphore, #tpu.memory_space<semaphore_mem>>) src(%dma_wait3A_25 : memref<128xi32, #tpu.memory_space<hbm>>) dst(%arg21 : memref<128xi32, #tpu.memory_space<vmem>>)
      %dma_wait3A_26 = tpu.memref_slice %arg10[%add3A_11] : memref<204800xi32, #tpu.memory_space<hbm>> -> memref<128xi32, #tpu.memory_space<hbm>>
      %dma_wait3A_27 = tpu.memref_slice %arg10[%add3A_11] : memref<204800xi32, #tpu.memory_space<hbm>> -> memref<128xi32, #tpu.memory_space<hbm>>
      tpu.wait_dma2 semaphore(%arg32 : memref<!tpu.dma_semaphore, #tpu.memory_space<semaphore_mem>>) src(%dma_wait3A_27 : memref<128xi32, #tpu.memory_space<hbm>>) dst(%arg22 : memref<128xi32, #tpu.memory_space<vmem>>)
      %dma_wait3A_28 = tpu.memref_slice %arg11[%add3A_11] : memref<204800xi32, #tpu.memory_space<hbm>> -> memref<128xi32, #tpu.memory_space<hbm>>
      %dma_wait3A_29 = tpu.memref_slice %arg11[%add3A_11] : memref<204800xi32, #tpu.memory_space<hbm>> -> memref<128xi32, #tpu.memory_space<hbm>>
      tpu.wait_dma2 semaphore(%arg32 : memref<!tpu.dma_semaphore, #tpu.memory_space<semaphore_mem>>) src(%dma_wait3A_29 : memref<128xi32, #tpu.memory_space<hbm>>) dst(%arg23 : memref<128xi32, #tpu.memory_space<vmem>>)
      %dma_wait3A_30 = tpu.memref_slice %arg12[%add3A_11] : memref<204800xi32, #tpu.memory_space<hbm>> -> memref<128xi32, #tpu.memory_space<hbm>>
      %dma_wait3A_31 = tpu.memref_slice %arg12[%add3A_11] : memref<204800xi32, #tpu.memory_space<hbm>> -> memref<128xi32, #tpu.memory_space<hbm>>
      tpu.wait_dma2 semaphore(%arg32 : memref<!tpu.dma_semaphore, #tpu.memory_space<semaphore_mem>>) src(%dma_wait3A_31 : memref<128xi32, #tpu.memory_space<hbm>>) dst(%arg24 : memref<128xi32, #tpu.memory_space<vmem>>)
      %dma_wait3A_32 = tpu.memref_slice %arg13[%add3A_11] : memref<204800xi32, #tpu.memory_space<hbm>> -> memref<128xi32, #tpu.memory_space<hbm>>
      %dma_wait3A_33 = tpu.memref_slice %arg13[%add3A_11] : memref<204800xi32, #tpu.memory_space<hbm>> -> memref<128xi32, #tpu.memory_space<hbm>>
      tpu.wait_dma2 semaphore(%arg32 : memref<!tpu.dma_semaphore, #tpu.memory_space<semaphore_mem>>) src(%dma_wait3A_33 : memref<128xi32, #tpu.memory_space<hbm>>) dst(%arg25 : memref<128xi32, #tpu.memory_space<vmem>>)
      %dma_start3A_34 = arith.constant 0 : i32
      %dma_start3A_35 = arith.constant 0 : i32
      %dma_start3A_36 = tpu.memref_slice %arg2[%dma_start3A_34, %dma_start3A_35] : memref<8x64xf32, #tpu.memory_space<hbm>> -> memref<8x64xf32, #tpu.memory_space<hbm>>
      tpu.enqueue_indirect_dma source(%dma_start3A_36 : memref<8x64xf32, #tpu.memory_space<hbm>>) target(%arg26 : memref<128x64xf32, #tpu.memory_space<vmem>>) offsets(%arg20 : memref<128xi32, #tpu.memory_space<vmem>>) semaphore(%arg33 : memref<!tpu.dma_semaphore, #tpu.memory_space<semaphore_mem>>)
      %dma_start3A_37 = arith.constant 0 : i32
      %dma_start3A_38 = arith.constant 0 : i32
      %dma_start3A_39 = tpu.memref_slice %arg3[%dma_start3A_37, %dma_start3A_38] : memref<100001x64xf32, #tpu.memory_space<hbm>> -> memref<100001x64xf32, #tpu.memory_space<hbm>>
      tpu.enqueue_indirect_dma source(%dma_start3A_39 : memref<100001x64xf32, #tpu.memory_space<hbm>>) target(%arg27 : memref<128x64xf32, #tpu.memory_space<vmem>>) offsets(%arg21 : memref<128xi32, #tpu.memory_space<vmem>>) semaphore(%arg33 : memref<!tpu.dma_semaphore, #tpu.memory_space<semaphore_mem>>)
      %dma_start3A_40 = arith.constant 0 : i32
      %dma_start3A_41 = arith.constant 0 : i32
      %dma_start3A_42 = tpu.memref_slice %arg4[%dma_start3A_40, %dma_start3A_41] : memref<10001x64xf32, #tpu.memory_space<hbm>> -> memref<10001x64xf32, #tpu.memory_space<hbm>>
      tpu.enqueue_indirect_dma source(%dma_start3A_42 : memref<10001x64xf32, #tpu.memory_space<hbm>>) target(%arg28 : memref<128x64xf32, #tpu.memory_space<vmem>>) offsets(%arg22 : memref<128xi32, #tpu.memory_space<vmem>>) semaphore(%arg33 : memref<!tpu.dma_semaphore, #tpu.memory_space<semaphore_mem>>)
      %dma_start3A_43 = arith.constant 0 : i32
      %dma_start3A_44 = arith.constant 0 : i32
      %dma_start3A_45 = tpu.memref_slice %arg5[%dma_start3A_43, %dma_start3A_44] : memref<1001x64xf32, #tpu.memory_space<hbm>> -> memref<1001x64xf32, #tpu.memory_space<hbm>>
      tpu.enqueue_indirect_dma source(%dma_start3A_45 : memref<1001x64xf32, #tpu.memory_space<hbm>>) target(%arg29 : memref<128x64xf32, #tpu.memory_space<vmem>>) offsets(%arg23 : memref<128xi32, #tpu.memory_space<vmem>>) semaphore(%arg33 : memref<!tpu.dma_semaphore, #tpu.memory_space<semaphore_mem>>)
      %dma_start3A_46 = arith.constant 0 : i32
      %dma_start3A_47 = arith.constant 0 : i32
      %dma_start3A_48 = tpu.memref_slice %arg6[%dma_start3A_46, %dma_start3A_47] : memref<100000x64xf32, #tpu.memory_space<hbm>> -> memref<100000x64xf32, #tpu.memory_space<hbm>>
      tpu.enqueue_indirect_dma source(%dma_start3A_48 : memref<100000x64xf32, #tpu.memory_space<hbm>>) target(%arg30 : memref<128x64xf32, #tpu.memory_space<vmem>>) offsets(%arg24 : memref<128xi32, #tpu.memory_space<vmem>>) semaphore(%arg33 : memref<!tpu.dma_semaphore, #tpu.memory_space<semaphore_mem>>)
      %dma_start3A_49 = arith.constant 0 : i32
      %dma_start3A_50 = arith.constant 0 : i32
      %dma_start3A_51 = tpu.memref_slice %arg7[%dma_start3A_49, %dma_start3A_50] : memref<100000x64xf32, #tpu.memory_space<hbm>> -> memref<100000x64xf32, #tpu.memory_space<hbm>>
      tpu.enqueue_indirect_dma source(%dma_start3A_51 : memref<100000x64xf32, #tpu.memory_space<hbm>>) target(%arg31 : memref<128x64xf32, #tpu.memory_space<vmem>>) offsets(%arg25 : memref<128xi32, #tpu.memory_space<vmem>>) semaphore(%arg33 : memref<!tpu.dma_semaphore, #tpu.memory_space<semaphore_mem>>)
      %dma_wait3A_52 = arith.constant 0 : i32
      %dma_wait3A_53 = arith.constant 0 : i32
      %dma_wait3A_54 = tpu.memref_slice %arg2[%dma_wait3A_52, %dma_wait3A_53] : memref<8x64xf32, #tpu.memory_space<hbm>> -> memref<8x64xf32, #tpu.memory_space<hbm>>
      tpu.wait_indirect_dma semaphore(%arg33 : memref<!tpu.dma_semaphore, #tpu.memory_space<semaphore_mem>>) src(%dma_wait3A_54 : memref<8x64xf32, #tpu.memory_space<hbm>>) dst(%arg26 : memref<128x64xf32, #tpu.memory_space<vmem>>)
      %dma_wait3A_55 = arith.constant 0 : i32
      %dma_wait3A_56 = arith.constant 0 : i32
      %dma_wait3A_57 = tpu.memref_slice %arg3[%dma_wait3A_55, %dma_wait3A_56] : memref<100001x64xf32, #tpu.memory_space<hbm>> -> memref<100001x64xf32, #tpu.memory_space<hbm>>
      tpu.wait_indirect_dma semaphore(%arg33 : memref<!tpu.dma_semaphore, #tpu.memory_space<semaphore_mem>>) src(%dma_wait3A_57 : memref<100001x64xf32, #tpu.memory_space<hbm>>) dst(%arg27 : memref<128x64xf32, #tpu.memory_space<vmem>>)
      %dma_wait3A_58 = arith.constant 0 : i32
      %dma_wait3A_59 = arith.constant 0 : i32
      %dma_wait3A_60 = tpu.memref_slice %arg4[%dma_wait3A_58, %dma_wait3A_59] : memref<10001x64xf32, #tpu.memory_space<hbm>> -> memref<10001x64xf32, #tpu.memory_space<hbm>>
      tpu.wait_indirect_dma semaphore(%arg33 : memref<!tpu.dma_semaphore, #tpu.memory_space<semaphore_mem>>) src(%dma_wait3A_60 : memref<10001x64xf32, #tpu.memory_space<hbm>>) dst(%arg28 : memref<128x64xf32, #tpu.memory_space<vmem>>)
      %dma_wait3A_61 = arith.constant 0 : i32
      %dma_wait3A_62 = arith.constant 0 : i32
      %dma_wait3A_63 = tpu.memref_slice %arg5[%dma_wait3A_61, %dma_wait3A_62] : memref<1001x64xf32, #tpu.memory_space<hbm>> -> memref<1001x64xf32, #tpu.memory_space<hbm>>
      tpu.wait_indirect_dma semaphore(%arg33 : memref<!tpu.dma_semaphore, #tpu.memory_space<semaphore_mem>>) src(%dma_wait3A_63 : memref<1001x64xf32, #tpu.memory_space<hbm>>) dst(%arg29 : memref<128x64xf32, #tpu.memory_space<vmem>>)
      %dma_wait3A_64 = arith.constant 0 : i32
      %dma_wait3A_65 = arith.constant 0 : i32
      %dma_wait3A_66 = tpu.memref_slice %arg6[%dma_wait3A_64, %dma_wait3A_65] : memref<100000x64xf32, #tpu.memory_space<hbm>> -> memref<100000x64xf32, #tpu.memory_space<hbm>>
      tpu.wait_indirect_dma semaphore(%arg33 : memref<!tpu.dma_semaphore, #tpu.memory_space<semaphore_mem>>) src(%dma_wait3A_66 : memref<100000x64xf32, #tpu.memory_space<hbm>>) dst(%arg30 : memref<128x64xf32, #tpu.memory_space<vmem>>)
      %dma_wait3A_67 = arith.constant 0 : i32
      %dma_wait3A_68 = arith.constant 0 : i32
      %dma_wait3A_69 = tpu.memref_slice %arg7[%dma_wait3A_67, %dma_wait3A_68] : memref<100000x64xf32, #tpu.memory_space<hbm>> -> memref<100000x64xf32, #tpu.memory_space<hbm>>
      tpu.wait_indirect_dma semaphore(%arg33 : memref<!tpu.dma_semaphore, #tpu.memory_space<semaphore_mem>>) src(%dma_wait3A_69 : memref<100000x64xf32, #tpu.memory_space<hbm>>) dst(%arg31 : memref<128x64xf32, #tpu.memory_space<vmem>>)
      %dma_start3A_70 = arith.constant 0 : i32
      %dma_start3A_71 = tpu.memref_slice %arg14[%add3A_11, %dma_start3A_70] : memref<204800x64xf32, #tpu.memory_space<hbm>> -> memref<128x64xf32, #tpu.memory_space<hbm>>
      %dma_start3A_72 = arith.constant 0 : i32
      %dma_start3A_73 = tpu.memref_slice %arg14[%add3A_11, %dma_start3A_72] : memref<204800x64xf32, #tpu.memory_space<hbm>> -> memref<128x64xf32, #tpu.memory_space<hbm>>
      tpu.enqueue_dma source(%arg26 : memref<128x64xf32, #tpu.memory_space<vmem>>) target(%dma_start3A_73 : memref<128x64xf32, #tpu.memory_space<hbm>>) target_semaphore(%arg34 : memref<!tpu.dma_semaphore, #tpu.memory_space<semaphore_mem>>)
      %dma_start3A_74 = arith.constant 0 : i32
      %dma_start3A_75 = tpu.memref_slice %arg15[%add3A_11, %dma_start3A_74] : memref<204800x64xf32, #tpu.memory_space<hbm>> -> memref<128x64xf32, #tpu.memory_space<hbm>>
      %dma_start3A_76 = arith.constant 0 : i32
      %dma_start3A_77 = tpu.memref_slice %arg15[%add3A_11, %dma_start3A_76] : memref<204800x64xf32, #tpu.memory_space<hbm>> -> memref<128x64xf32, #tpu.memory_space<hbm>>
      tpu.enqueue_dma source(%arg27 : memref<128x64xf32, #tpu.memory_space<vmem>>) target(%dma_start3A_77 : memref<128x64xf32, #tpu.memory_space<hbm>>) target_semaphore(%arg34 : memref<!tpu.dma_semaphore, #tpu.memory_space<semaphore_mem>>)
      %dma_start3A_78 = arith.constant 0 : i32
      %dma_start3A_79 = tpu.memref_slice %arg16[%add3A_11, %dma_start3A_78] : memref<204800x64xf32, #tpu.memory_space<hbm>> -> memref<128x64xf32, #tpu.memory_space<hbm>>
      %dma_start3A_80 = arith.constant 0 : i32
      %dma_start3A_81 = tpu.memref_slice %arg16[%add3A_11, %dma_start3A_80] : memref<204800x64xf32, #tpu.memory_space<hbm>> -> memref<128x64xf32, #tpu.memory_space<hbm>>
      tpu.enqueue_dma source(%arg28 : memref<128x64xf32, #tpu.memory_space<vmem>>) target(%dma_start3A_81 : memref<128x64xf32, #tpu.memory_space<hbm>>) target_semaphore(%arg34 : memref<!tpu.dma_semaphore, #tpu.memory_space<semaphore_mem>>)
      %dma_start3A_82 = arith.constant 0 : i32
      %dma_start3A_83 = tpu.memref_slice %arg17[%add3A_11, %dma_start3A_82] : memref<204800x64xf32, #tpu.memory_space<hbm>> -> memref<128x64xf32, #tpu.memory_space<hbm>>
      %dma_start3A_84 = arith.constant 0 : i32
      %dma_start3A_85 = tpu.memref_slice %arg17[%add3A_11, %dma_start3A_84] : memref<204800x64xf32, #tpu.memory_space<hbm>> -> memref<128x64xf32, #tpu.memory_space<hbm>>
      tpu.enqueue_dma source(%arg29 : memref<128x64xf32, #tpu.memory_space<vmem>>) target(%dma_start3A_85 : memref<128x64xf32, #tpu.memory_space<hbm>>) target_semaphore(%arg34 : memref<!tpu.dma_semaphore, #tpu.memory_space<semaphore_mem>>)
      %dma_start3A_86 = arith.constant 0 : i32
      %dma_start3A_87 = tpu.memref_slice %arg18[%add3A_11, %dma_start3A_86] : memref<204800x64xf32, #tpu.memory_space<hbm>> -> memref<128x64xf32, #tpu.memory_space<hbm>>
      %dma_start3A_88 = arith.constant 0 : i32
      %dma_start3A_89 = tpu.memref_slice %arg18[%add3A_11, %dma_start3A_88] : memref<204800x64xf32, #tpu.memory_space<hbm>> -> memref<128x64xf32, #tpu.memory_space<hbm>>
      tpu.enqueue_dma source(%arg30 : memref<128x64xf32, #tpu.memory_space<vmem>>) target(%dma_start3A_89 : memref<128x64xf32, #tpu.memory_space<hbm>>) target_semaphore(%arg34 : memref<!tpu.dma_semaphore, #tpu.memory_space<semaphore_mem>>)
      %dma_start3A_90 = arith.constant 0 : i32
      %dma_start3A_91 = tpu.memref_slice %arg19[%add3A_11, %dma_start3A_90] : memref<204800x64xf32, #tpu.memory_space<hbm>> -> memref<128x64xf32, #tpu.memory_space<hbm>>
      %dma_start3A_92 = arith.constant 0 : i32
      %dma_start3A_93 = tpu.memref_slice %arg19[%add3A_11, %dma_start3A_92] : memref<204800x64xf32, #tpu.memory_space<hbm>> -> memref<128x64xf32, #tpu.memory_space<hbm>>
      tpu.enqueue_dma source(%arg31 : memref<128x64xf32, #tpu.memory_space<vmem>>) target(%dma_start3A_93 : memref<128x64xf32, #tpu.memory_space<hbm>>) target_semaphore(%arg34 : memref<!tpu.dma_semaphore, #tpu.memory_space<semaphore_mem>>)
      %dma_wait3A_94 = arith.constant 0 : i32
      %dma_wait3A_95 = tpu.memref_slice %arg14[%add3A_11, %dma_wait3A_94] : memref<204800x64xf32, #tpu.memory_space<hbm>> -> memref<128x64xf32, #tpu.memory_space<hbm>>
      %dma_wait3A_96 = arith.constant 0 : i32
      %dma_wait3A_97 = tpu.memref_slice %arg14[%add3A_11, %dma_wait3A_96] : memref<204800x64xf32, #tpu.memory_space<hbm>> -> memref<128x64xf32, #tpu.memory_space<hbm>>
      tpu.wait_dma2 semaphore(%arg34 : memref<!tpu.dma_semaphore, #tpu.memory_space<semaphore_mem>>) src(%arg26 : memref<128x64xf32, #tpu.memory_space<vmem>>) dst(%dma_wait3A_97 : memref<128x64xf32, #tpu.memory_space<hbm>>)
      %dma_wait3A_98 = arith.constant 0 : i32
      %dma_wait3A_99 = tpu.memref_slice %arg15[%add3A_11, %dma_wait3A_98] : memref<204800x64xf32, #tpu.memory_space<hbm>> -> memref<128x64xf32, #tpu.memory_space<hbm>>
      %dma_wait3A_100 = arith.constant 0 : i32
      %dma_wait3A_101 = tpu.memref_slice %arg15[%add3A_11, %dma_wait3A_100] : memref<204800x64xf32, #tpu.memory_space<hbm>> -> memref<128x64xf32, #tpu.memory_space<hbm>>
      tpu.wait_dma2 semaphore(%arg34 : memref<!tpu.dma_semaphore, #tpu.memory_space<semaphore_mem>>) src(%arg27 : memref<128x64xf32, #tpu.memory_space<vmem>>) dst(%dma_wait3A_101 : memref<128x64xf32, #tpu.memory_space<hbm>>)
      %dma_wait3A_102 = arith.constant 0 : i32
      %dma_wait3A_103 = tpu.memref_slice %arg16[%add3A_11, %dma_wait3A_102] : memref<204800x64xf32, #tpu.memory_space<hbm>> -> memref<128x64xf32, #tpu.memory_space<hbm>>
      %dma_wait3A_104 = arith.constant 0 : i32
      %dma_wait3A_105 = tpu.memref_slice %arg16[%add3A_11, %dma_wait3A_104] : memref<204800x64xf32, #tpu.memory_space<hbm>> -> memref<128x64xf32, #tpu.memory_space<hbm>>
      tpu.wait_dma2 semaphore(%arg34 : memref<!tpu.dma_semaphore, #tpu.memory_space<semaphore_mem>>) src(%arg28 : memref<128x64xf32, #tpu.memory_space<vmem>>) dst(%dma_wait3A_105 : memref<128x64xf32, #tpu.memory_space<hbm>>)
      %dma_wait3A_106 = arith.constant 0 : i32
      %dma_wait3A_107 = tpu.memref_slice %arg17[%add3A_11, %dma_wait3A_106] : memref<204800x64xf32, #tpu.memory_space<hbm>> -> memref<128x64xf32, #tpu.memory_space<hbm>>
      %dma_wait3A_108 = arith.constant 0 : i32
      %dma_wait3A_109 = tpu.memref_slice %arg17[%add3A_11, %dma_wait3A_108] : memref<204800x64xf32, #tpu.memory_space<hbm>> -> memref<128x64xf32, #tpu.memory_space<hbm>>
      tpu.wait_dma2 semaphore(%arg34 : memref<!tpu.dma_semaphore, #tpu.memory_space<semaphore_mem>>) src(%arg29 : memref<128x64xf32, #tpu.memory_space<vmem>>) dst(%dma_wait3A_109 : memref<128x64xf32, #tpu.memory_space<hbm>>)
      %dma_wait3A_110 = arith.constant 0 : i32
      %dma_wait3A_111 = tpu.memref_slice %arg18[%add3A_11, %dma_wait3A_110] : memref<204800x64xf32, #tpu.memory_space<hbm>> -> memref<128x64xf32, #tpu.memory_space<hbm>>
      %dma_wait3A_112 = arith.constant 0 : i32
      %dma_wait3A_113 = tpu.memref_slice %arg18[%add3A_11, %dma_wait3A_112] : memref<204800x64xf32, #tpu.memory_space<hbm>> -> memref<128x64xf32, #tpu.memory_space<hbm>>
      tpu.wait_dma2 semaphore(%arg34 : memref<!tpu.dma_semaphore, #tpu.memory_space<semaphore_mem>>) src(%arg30 : memref<128x64xf32, #tpu.memory_space<vmem>>) dst(%dma_wait3A_113 : memref<128x64xf32, #tpu.memory_space<hbm>>)
      %dma_wait3A_114 = arith.constant 0 : i32
      %dma_wait3A_115 = tpu.memref_slice %arg19[%add3A_11, %dma_wait3A_114] : memref<204800x64xf32, #tpu.memory_space<hbm>> -> memref<128x64xf32, #tpu.memory_space<hbm>>
      %dma_wait3A_116 = arith.constant 0 : i32
      %dma_wait3A_117 = tpu.memref_slice %arg19[%add3A_11, %dma_wait3A_116] : memref<204800x64xf32, #tpu.memory_space<hbm>> -> memref<128x64xf32, #tpu.memory_space<hbm>>
      tpu.wait_dma2 semaphore(%arg34 : memref<!tpu.dma_semaphore, #tpu.memory_space<semaphore_mem>>) src(%arg31 : memref<128x64xf32, #tpu.memory_space<vmem>>) dst(%dma_wait3A_117 : memref<128x64xf32, #tpu.memory_space<hbm>>)
    }
    %scan3A_7 = arith.constant 50 : i32
    return
  }
}

module attributes {stable_mosaic.version = 14 : i64} {
  func.func @_tc_body(%arg0: i32, %arg1: memref<1x2x1024xf32, #tpu.memory_space<vmem>>, %arg2: memref<1x2x1024xf32, #tpu.memory_space<vmem>>, %arg3: memref<1024x128xf32, #tpu.memory_space<vmem>>, %arg4: memref<1024x128xf32, #tpu.memory_space<vmem>>, %arg5: memref<1024x128xf32, #tpu.memory_space<vmem>>, %arg6: memref<1024x128xf32, #tpu.memory_space<vmem>>, %arg7: memref<1024x128xf32, #tpu.memory_space<vmem>>, %arg8: memref<1024x128xf32, #tpu.memory_space<vmem>>, %arg9: memref<64x192xf32, #tpu.memory_space<vmem>>, %arg10: memref<64x192xf32, #tpu.memory_space<vmem>>, %arg11: memref<64x192xf32, #tpu.memory_space<vmem>>, %arg12: memref<64x192xf32, #tpu.memory_space<vmem>>, %arg13: memref<64x192xf32, #tpu.memory_space<vmem>>, %arg14: memref<64x192xf32, #tpu.memory_space<vmem>>, %arg15: memref<64x192xf32, #tpu.memory_space<vmem>>, %arg16: memref<64x192xf32, #tpu.memory_space<vmem>>, %arg17: memref<64x192xf32, #tpu.memory_space<vmem>>, %arg18: memref<1x192xf32, #tpu.memory_space<vmem>>, %arg19: memref<1x192xf32, #tpu.memory_space<vmem>>, %arg20: memref<1x192xf32, #tpu.memory_space<vmem>>, %arg21: memref<1x192xf32, #tpu.memory_space<vmem>>, %arg22: memref<1x192xf32, #tpu.memory_space<vmem>>, %arg23: memref<1x192xf32, #tpu.memory_space<vmem>>, %arg24: memref<2x192x1024xf32, #tpu.memory_space<vmem>>, %arg25: memref<2x192x1024xf32, #tpu.memory_space<vmem>>) attributes {dimension_semantics = [#tpu.dimension_semantics<arbitrary>], iteration_bounds = array<i64: 100>, scalar_prefetch = 0 : i64, scratch_operands = 0 : i64, tpu.core_type = #tpu.core_type<tc>, window_params = [{transform_indices = @transform_0, window_bounds = array<i64: 1, 2, 1024>}, {transform_indices = @transform_1, window_bounds = array<i64: 1, 2, 1024>}, {transform_indices = @transform_2, window_bounds = array<i64: 1024, 128>}, {transform_indices = @transform_3, window_bounds = array<i64: 1024, 128>}, {transform_indices = @transform_4, window_bounds = array<i64: 1024, 128>}, {transform_indices = @transform_5, window_bounds = array<i64: 1024, 128>}, {transform_indices = @transform_6, window_bounds = array<i64: 1024, 128>}, {transform_indices = @transform_7, window_bounds = array<i64: 1024, 128>}, {pipeline_mode = #tpu.pipeline_mode<synchronous>, transform_indices = @transform_8, window_bounds = array<i64: 64, 192>}, {pipeline_mode = #tpu.pipeline_mode<synchronous>, transform_indices = @transform_9, window_bounds = array<i64: 64, 192>}, {pipeline_mode = #tpu.pipeline_mode<synchronous>, transform_indices = @transform_10, window_bounds = array<i64: 64, 192>}, {pipeline_mode = #tpu.pipeline_mode<synchronous>, transform_indices = @transform_11, window_bounds = array<i64: 64, 192>}, {pipeline_mode = #tpu.pipeline_mode<synchronous>, transform_indices = @transform_12, window_bounds = array<i64: 64, 192>}, {pipeline_mode = #tpu.pipeline_mode<synchronous>, transform_indices = @transform_13, window_bounds = array<i64: 64, 192>}, {pipeline_mode = #tpu.pipeline_mode<synchronous>, transform_indices = @transform_14, window_bounds = array<i64: 64, 192>}, {pipeline_mode = #tpu.pipeline_mode<synchronous>, transform_indices = @transform_15, window_bounds = array<i64: 64, 192>}, {pipeline_mode = #tpu.pipeline_mode<synchronous>, transform_indices = @transform_16, window_bounds = array<i64: 64, 192>}, {pipeline_mode = #tpu.pipeline_mode<synchronous>, transform_indices = @transform_17, window_bounds = array<i64: 1, 192>}, {pipeline_mode = #tpu.pipeline_mode<synchronous>, transform_indices = @transform_18, window_bounds = array<i64: 1, 192>}, {pipeline_mode = #tpu.pipeline_mode<synchronous>, transform_indices = @transform_19, window_bounds = array<i64: 1, 192>}, {pipeline_mode = #tpu.pipeline_mode<synchronous>, transform_indices = @transform_20, window_bounds = array<i64: 1, 192>}, {pipeline_mode = #tpu.pipeline_mode<synchronous>, transform_indices = @transform_21, window_bounds = array<i64: 1, 192>}, {pipeline_mode = #tpu.pipeline_mode<synchronous>, transform_indices = @transform_22, window_bounds = array<i64: 1, 192>}, {transform_indices = @transform_23, window_bounds = array<i64: 2, 192, 1024>}, {transform_indices = @transform_24, window_bounds = array<i64: 2, 192, 1024>}]} {
    %get3A = arith.constant 0 : index
    %get3A_0 = arith.constant 0 : index
    %get3A_1 = vector.load %arg3[%get3A, %get3A_0] : memref<1024x128xf32, #tpu.memory_space<vmem>>, vector<1024x128xf32>
    %slice3A = vector.extract_strided_slice %get3A_1 {offsets = [0, 0], sizes = [1024, 64], strides = [1, 1]} : vector<1024x128xf32> to vector<1024x64xf32>
    %get3A_2 = arith.constant 0 : index
    %get3A_3 = arith.constant 0 : index
    %get3A_4 = vector.load %arg9[%get3A_2, %get3A_3] : memref<64x192xf32, #tpu.memory_space<vmem>>, vector<64x192xf32>
    %dot_general3A = arith.constant dense<0.000000e+00> : vector<1024x192xf32>
    %dot_general3A_5 = tpu.matmul %slice3A, %get3A_4, %dot_general3A {dimension_numbers = #tpu.dot_dimension_numbers<[1], [0], [0], [1], [0, 0, 1, 1], [], []>, transpose_lhs_hint = false} : vector<1024x64xf32>, vector<64x192xf32>, vector<1024x192xf32> -> vector<1024x192xf32>
    %get3A_6 = arith.constant 0 : index
    %get3A_7 = arith.constant 0 : index
    %get3A_8 = vector.load %arg4[%get3A_6, %get3A_7] : memref<1024x128xf32, #tpu.memory_space<vmem>>, vector<1024x128xf32>
    %slice3A_9 = vector.extract_strided_slice %get3A_8 {offsets = [0, 0], sizes = [1024, 64], strides = [1, 1]} : vector<1024x128xf32> to vector<1024x64xf32>
    %get3A_10 = arith.constant 0 : index
    %get3A_11 = arith.constant 0 : index
    %get3A_12 = vector.load %arg10[%get3A_10, %get3A_11] : memref<64x192xf32, #tpu.memory_space<vmem>>, vector<64x192xf32>
    %dot_general3A_13 = arith.constant dense<0.000000e+00> : vector<1024x192xf32>
    %dot_general3A_14 = tpu.matmul %slice3A_9, %get3A_12, %dot_general3A_13 {dimension_numbers = #tpu.dot_dimension_numbers<[1], [0], [0], [1], [0, 0, 1, 1], [], []>, transpose_lhs_hint = false} : vector<1024x64xf32>, vector<64x192xf32>, vector<1024x192xf32> -> vector<1024x192xf32>
    %add3A = arith.addf %dot_general3A_5, %dot_general3A_14 : vector<1024x192xf32>
    %get3A_15 = arith.constant 0 : index
    %get3A_16 = arith.constant 0 : index
    %get3A_17 = vector.load %arg5[%get3A_15, %get3A_16] : memref<1024x128xf32, #tpu.memory_space<vmem>>, vector<1024x128xf32>
    %slice3A_18 = vector.extract_strided_slice %get3A_17 {offsets = [0, 0], sizes = [1024, 64], strides = [1, 1]} : vector<1024x128xf32> to vector<1024x64xf32>
    %get3A_19 = arith.constant 0 : index
    %get3A_20 = arith.constant 0 : index
    %get3A_21 = vector.load %arg11[%get3A_19, %get3A_20] : memref<64x192xf32, #tpu.memory_space<vmem>>, vector<64x192xf32>
    %dot_general3A_22 = arith.constant dense<0.000000e+00> : vector<1024x192xf32>
    %dot_general3A_23 = tpu.matmul %slice3A_18, %get3A_21, %dot_general3A_22 {dimension_numbers = #tpu.dot_dimension_numbers<[1], [0], [0], [1], [0, 0, 1, 1], [], []>, transpose_lhs_hint = false} : vector<1024x64xf32>, vector<64x192xf32>, vector<1024x192xf32> -> vector<1024x192xf32>
    %add3A_24 = arith.addf %add3A, %dot_general3A_23 : vector<1024x192xf32>
    %get3A_25 = arith.constant 0 : index
    %get3A_26 = arith.constant 0 : index
    %get3A_27 = vector.load %arg6[%get3A_25, %get3A_26] : memref<1024x128xf32, #tpu.memory_space<vmem>>, vector<1024x128xf32>
    %slice3A_28 = vector.extract_strided_slice %get3A_27 {offsets = [0, 0], sizes = [1024, 64], strides = [1, 1]} : vector<1024x128xf32> to vector<1024x64xf32>
    %get3A_29 = arith.constant 0 : index
    %get3A_30 = arith.constant 0 : index
    %get3A_31 = vector.load %arg12[%get3A_29, %get3A_30] : memref<64x192xf32, #tpu.memory_space<vmem>>, vector<64x192xf32>
    %dot_general3A_32 = arith.constant dense<0.000000e+00> : vector<1024x192xf32>
    %dot_general3A_33 = tpu.matmul %slice3A_28, %get3A_31, %dot_general3A_32 {dimension_numbers = #tpu.dot_dimension_numbers<[1], [0], [0], [1], [0, 0, 1, 1], [], []>, transpose_lhs_hint = false} : vector<1024x64xf32>, vector<64x192xf32>, vector<1024x192xf32> -> vector<1024x192xf32>
    %add3A_34 = arith.addf %add3A_24, %dot_general3A_33 : vector<1024x192xf32>
    %get3A_35 = arith.constant 0 : index
    %get3A_36 = arith.constant 0 : index
    %get3A_37 = vector.load %arg7[%get3A_35, %get3A_36] : memref<1024x128xf32, #tpu.memory_space<vmem>>, vector<1024x128xf32>
    %slice3A_38 = vector.extract_strided_slice %get3A_37 {offsets = [0, 0], sizes = [1024, 64], strides = [1, 1]} : vector<1024x128xf32> to vector<1024x64xf32>
    %get3A_39 = arith.constant 0 : index
    %get3A_40 = arith.constant 0 : index
    %get3A_41 = vector.load %arg13[%get3A_39, %get3A_40] : memref<64x192xf32, #tpu.memory_space<vmem>>, vector<64x192xf32>
    %dot_general3A_42 = arith.constant dense<0.000000e+00> : vector<1024x192xf32>
    %dot_general3A_43 = tpu.matmul %slice3A_38, %get3A_41, %dot_general3A_42 {dimension_numbers = #tpu.dot_dimension_numbers<[1], [0], [0], [1], [0, 0, 1, 1], [], []>, transpose_lhs_hint = false} : vector<1024x64xf32>, vector<64x192xf32>, vector<1024x192xf32> -> vector<1024x192xf32>
    %add3A_44 = arith.addf %add3A_34, %dot_general3A_43 : vector<1024x192xf32>
    %get3A_45 = arith.constant 0 : index
    %get3A_46 = arith.constant 0 : index
    %get3A_47 = vector.load %arg8[%get3A_45, %get3A_46] : memref<1024x128xf32, #tpu.memory_space<vmem>>, vector<1024x128xf32>
    %slice3A_48 = vector.extract_strided_slice %get3A_47 {offsets = [0, 0], sizes = [1024, 64], strides = [1, 1]} : vector<1024x128xf32> to vector<1024x64xf32>
    %get3A_49 = arith.constant 0 : index
    %get3A_50 = arith.constant 0 : index
    %get3A_51 = vector.load %arg14[%get3A_49, %get3A_50] : memref<64x192xf32, #tpu.memory_space<vmem>>, vector<64x192xf32>
    %dot_general3A_52 = arith.constant dense<0.000000e+00> : vector<1024x192xf32>
    %dot_general3A_53 = tpu.matmul %slice3A_48, %get3A_51, %dot_general3A_52 {dimension_numbers = #tpu.dot_dimension_numbers<[1], [0], [0], [1], [0, 0, 1, 1], [], []>, transpose_lhs_hint = false} : vector<1024x64xf32>, vector<64x192xf32>, vector<1024x192xf32> -> vector<1024x192xf32>
    %add3A_54 = arith.addf %add3A_44, %dot_general3A_53 : vector<1024x192xf32>
    %get3A_55 = arith.constant 0 : index
    %get3A_56 = arith.constant 0 : index
    %get3A_57 = vector.load %arg4[%get3A_55, %get3A_56] : memref<1024x128xf32, #tpu.memory_space<vmem>>, vector<1024x128xf32>
    %slice3A_58 = vector.extract_strided_slice %get3A_57 {offsets = [0, 0], sizes = [1024, 64], strides = [1, 1]} : vector<1024x128xf32> to vector<1024x64xf32>
    %get3A_59 = arith.constant 0 : index
    %get3A_60 = arith.constant 0 : index
    %get3A_61 = vector.load %arg15[%get3A_59, %get3A_60] : memref<64x192xf32, #tpu.memory_space<vmem>>, vector<64x192xf32>
    %dot_general3A_62 = arith.constant dense<0.000000e+00> : vector<1024x192xf32>
    %dot_general3A_63 = tpu.matmul %slice3A_58, %get3A_61, %dot_general3A_62 {dimension_numbers = #tpu.dot_dimension_numbers<[1], [0], [0], [1], [0, 0, 1, 1], [], []>, transpose_lhs_hint = false} : vector<1024x64xf32>, vector<64x192xf32>, vector<1024x192xf32> -> vector<1024x192xf32>
    %get3A_64 = arith.constant 0 : index
    %get3A_65 = arith.constant 0 : index
    %get3A_66 = vector.load %arg5[%get3A_64, %get3A_65] : memref<1024x128xf32, #tpu.memory_space<vmem>>, vector<1024x128xf32>
    %slice3A_67 = vector.extract_strided_slice %get3A_66 {offsets = [0, 0], sizes = [1024, 64], strides = [1, 1]} : vector<1024x128xf32> to vector<1024x64xf32>
    %get3A_68 = arith.constant 0 : index
    %get3A_69 = arith.constant 0 : index
    %get3A_70 = vector.load %arg16[%get3A_68, %get3A_69] : memref<64x192xf32, #tpu.memory_space<vmem>>, vector<64x192xf32>
    %dot_general3A_71 = arith.constant dense<0.000000e+00> : vector<1024x192xf32>
    %dot_general3A_72 = tpu.matmul %slice3A_67, %get3A_70, %dot_general3A_71 {dimension_numbers = #tpu.dot_dimension_numbers<[1], [0], [0], [1], [0, 0, 1, 1], [], []>, transpose_lhs_hint = false} : vector<1024x64xf32>, vector<64x192xf32>, vector<1024x192xf32> -> vector<1024x192xf32>
    %add3A_73 = arith.addf %dot_general3A_63, %dot_general3A_72 : vector<1024x192xf32>
    %get3A_74 = arith.constant 0 : index
    %get3A_75 = arith.constant 0 : index
    %get3A_76 = vector.load %arg6[%get3A_74, %get3A_75] : memref<1024x128xf32, #tpu.memory_space<vmem>>, vector<1024x128xf32>
    %slice3A_77 = vector.extract_strided_slice %get3A_76 {offsets = [0, 0], sizes = [1024, 64], strides = [1, 1]} : vector<1024x128xf32> to vector<1024x64xf32>
    %get3A_78 = arith.constant 0 : index
    %get3A_79 = arith.constant 0 : index
    %get3A_80 = vector.load %arg17[%get3A_78, %get3A_79] : memref<64x192xf32, #tpu.memory_space<vmem>>, vector<64x192xf32>
    %dot_general3A_81 = arith.constant dense<0.000000e+00> : vector<1024x192xf32>
    %dot_general3A_82 = tpu.matmul %slice3A_77, %get3A_80, %dot_general3A_81 {dimension_numbers = #tpu.dot_dimension_numbers<[1], [0], [0], [1], [0, 0, 1, 1], [], []>, transpose_lhs_hint = false} : vector<1024x64xf32>, vector<64x192xf32>, vector<1024x192xf32> -> vector<1024x192xf32>
    %add3A_83 = arith.addf %add3A_73, %dot_general3A_82 : vector<1024x192xf32>
    %get3A_84 = arith.constant 0 : index
    %get3A_85 = arith.constant 0 : index
    %get3A_86 = arith.constant 0 : index
    %get3A_87 = vector.load %arg1[%get3A_84, %get3A_85, %get3A_86] : memref<1x2x1024xf32, #tpu.memory_space<vmem>>, vector<1x1x1024xf32>
    %get3A_88 = vector.shape_cast %get3A_87 : vector<1x1x1024xf32> to vector<1024xf32>
    %broadcast_in_dim3A = vector.shape_cast %get3A_88 : vector<1024xf32> to vector<1024x1xf32>
    %get3A_89 = arith.constant 0 : index
    %get3A_90 = arith.constant 0 : index
    %get3A_91 = arith.constant 0 : index
    %get3A_92 = vector.load %arg2[%get3A_89, %get3A_90, %get3A_91] : memref<1x2x1024xf32, #tpu.memory_space<vmem>>, vector<1x1x1024xf32>
    %get3A_93 = vector.shape_cast %get3A_92 : vector<1x1x1024xf32> to vector<1024xf32>
    %broadcast_in_dim3A_94 = vector.shape_cast %get3A_93 : vector<1024xf32> to vector<1024x1xf32>
    %get3A_95 = arith.constant 0 : index
    %get3A_96 = arith.constant 0 : index
    %get3A_97 = vector.load %arg18[%get3A_95, %get3A_96] : memref<1x192xf32, #tpu.memory_space<vmem>>, vector<1x192xf32>
    %mul3A = vector.broadcast %broadcast_in_dim3A : vector<1024x1xf32> to vector<1024x192xf32>
    %mul3A_98 = vector.broadcast %get3A_97 : vector<1x192xf32> to vector<1024x192xf32>
    %mul3A_99 = arith.mulf %mul3A, %mul3A_98 : vector<1024x192xf32>
    %add3A_100 = arith.addf %add3A_54, %mul3A_99 : vector<1024x192xf32>
    %get3A_101 = arith.constant 0 : index
    %get3A_102 = arith.constant 0 : index
    %get3A_103 = vector.load %arg19[%get3A_101, %get3A_102] : memref<1x192xf32, #tpu.memory_space<vmem>>, vector<1x192xf32>
    %mul3A_104 = vector.broadcast %broadcast_in_dim3A_94 : vector<1024x1xf32> to vector<1024x192xf32>
    %mul3A_105 = vector.broadcast %get3A_103 : vector<1x192xf32> to vector<1024x192xf32>
    %mul3A_106 = arith.mulf %mul3A_104, %mul3A_105 : vector<1024x192xf32>
    %add3A_107 = arith.addf %add3A_100, %mul3A_106 : vector<1024x192xf32>
    %get3A_108 = arith.constant 0 : index
    %get3A_109 = arith.constant 0 : index
    %get3A_110 = vector.load %arg22[%get3A_108, %get3A_109] : memref<1x192xf32, #tpu.memory_space<vmem>>, vector<1x192xf32>
    %add3A_111 = vector.broadcast %get3A_110 : vector<1x192xf32> to vector<1024x192xf32>
    %add3A_112 = arith.addf %add3A_107, %add3A_111 : vector<1024x192xf32>
    %get3A_113 = arith.constant 0 : index
    %get3A_114 = arith.constant 0 : index
    %get3A_115 = vector.load %arg20[%get3A_113, %get3A_114] : memref<1x192xf32, #tpu.memory_space<vmem>>, vector<1x192xf32>
    %mul3A_116 = vector.broadcast %broadcast_in_dim3A : vector<1024x1xf32> to vector<1024x192xf32>
    %mul3A_117 = vector.broadcast %get3A_115 : vector<1x192xf32> to vector<1024x192xf32>
    %mul3A_118 = arith.mulf %mul3A_116, %mul3A_117 : vector<1024x192xf32>
    %add3A_119 = arith.addf %add3A_83, %mul3A_118 : vector<1024x192xf32>
    %get3A_120 = arith.constant 0 : index
    %get3A_121 = arith.constant 0 : index
    %get3A_122 = vector.load %arg21[%get3A_120, %get3A_121] : memref<1x192xf32, #tpu.memory_space<vmem>>, vector<1x192xf32>
    %mul3A_123 = vector.broadcast %broadcast_in_dim3A_94 : vector<1024x1xf32> to vector<1024x192xf32>
    %mul3A_124 = vector.broadcast %get3A_122 : vector<1x192xf32> to vector<1024x192xf32>
    %mul3A_125 = arith.mulf %mul3A_123, %mul3A_124 : vector<1024x192xf32>
    %add3A_126 = arith.addf %add3A_119, %mul3A_125 : vector<1024x192xf32>
    %get3A_127 = arith.constant 0 : index
    %get3A_128 = arith.constant 0 : index
    %get3A_129 = vector.load %arg23[%get3A_127, %get3A_128] : memref<1x192xf32, #tpu.memory_space<vmem>>, vector<1x192xf32>
    %add3A_130 = vector.broadcast %get3A_129 : vector<1x192xf32> to vector<1024x192xf32>
    %add3A_131 = arith.addf %add3A_126, %add3A_130 : vector<1024x192xf32>
    %transpose3A = tpu.transpose %add3A_112, [1, 0] : vector<1024x192xf32> -> vector<192x1024xf32>
    %swap3A = arith.constant 0 : index
    %swap3A_132 = arith.constant 0 : index
    %swap3A_133 = arith.constant 0 : index
    %swap3A_134 = vector.load %arg25[%swap3A, %swap3A_132, %swap3A_133] : memref<2x192x1024xf32, #tpu.memory_space<vmem>>, vector<1x192x1024xf32>
    %swap3A_135 = vector.shape_cast %swap3A_134 : vector<1x192x1024xf32> to vector<192x1024xf32>
    %swap3A_136 = vector.shape_cast %transpose3A : vector<192x1024xf32> to vector<1x192x1024xf32>
    tpu.vector_store %arg25[%swap3A, %swap3A_132, %swap3A_133], %swap3A_136 {strides = array<i32>} : memref<2x192x1024xf32, #tpu.memory_space<vmem>>, vector<1x192x1024xf32>,
    %transpose3A_137 = tpu.transpose %add3A_131, [1, 0] : vector<1024x192xf32> -> vector<192x1024xf32>
    %swap3A_138 = arith.constant 0 : index
    %swap3A_139 = arith.constant 0 : index
    %swap3A_140 = arith.constant 0 : index
    %swap3A_141 = vector.load %arg24[%swap3A_138, %swap3A_139, %swap3A_140] : memref<2x192x1024xf32, #tpu.memory_space<vmem>>, vector<1x192x1024xf32>
    %swap3A_142 = vector.shape_cast %swap3A_141 : vector<1x192x1024xf32> to vector<192x1024xf32>
    %swap3A_143 = vector.shape_cast %transpose3A_137 : vector<192x1024xf32> to vector<1x192x1024xf32>
    tpu.vector_store %arg24[%swap3A_138, %swap3A_139, %swap3A_140], %swap3A_143 {strides = array<i32>} : memref<2x192x1024xf32, #tpu.memory_space<vmem>>, vector<1x192x1024xf32>,
    %get3A_144 = arith.constant 0 : index
    %get3A_145 = arith.constant 0 : index
    %get3A_146 = vector.load %arg3[%get3A_144, %get3A_145] : memref<1024x128xf32, #tpu.memory_space<vmem>>, vector<1024x128xf32>
    %slice3A_147 = vector.extract_strided_slice %get3A_146 {offsets = [0, 64], sizes = [1024, 64], strides = [1, 1]} : vector<1024x128xf32> to vector<1024x64xf32>
    %get3A_148 = arith.constant 0 : index
    %get3A_149 = arith.constant 0 : index
    %get3A_150 = vector.load %arg9[%get3A_148, %get3A_149] : memref<64x192xf32, #tpu.memory_space<vmem>>, vector<64x192xf32>
    %dot_general3A_151 = arith.constant dense<0.000000e+00> : vector<1024x192xf32>
    %dot_general3A_152 = tpu.matmul %slice3A_147, %get3A_150, %dot_general3A_151 {dimension_numbers = #tpu.dot_dimension_numbers<[1], [0], [0], [1], [0, 0, 1, 1], [], []>, transpose_lhs_hint = false} : vector<1024x64xf32>, vector<64x192xf32>, vector<1024x192xf32> -> vector<1024x192xf32>
    %get3A_153 = arith.constant 0 : index
    %get3A_154 = arith.constant 0 : index
    %get3A_155 = vector.load %arg4[%get3A_153, %get3A_154] : memref<1024x128xf32, #tpu.memory_space<vmem>>, vector<1024x128xf32>
    %slice3A_156 = vector.extract_strided_slice %get3A_155 {offsets = [0, 64], sizes = [1024, 64], strides = [1, 1]} : vector<1024x128xf32> to vector<1024x64xf32>
    %get3A_157 = arith.constant 0 : index
    %get3A_158 = arith.constant 0 : index
    %get3A_159 = vector.load %arg10[%get3A_157, %get3A_158] : memref<64x192xf32, #tpu.memory_space<vmem>>, vector<64x192xf32>
    %dot_general3A_160 = arith.constant dense<0.000000e+00> : vector<1024x192xf32>
    %dot_general3A_161 = tpu.matmul %slice3A_156, %get3A_159, %dot_general3A_160 {dimension_numbers = #tpu.dot_dimension_numbers<[1], [0], [0], [1], [0, 0, 1, 1], [], []>, transpose_lhs_hint = false} : vector<1024x64xf32>, vector<64x192xf32>, vector<1024x192xf32> -> vector<1024x192xf32>
    %add3A_162 = arith.addf %dot_general3A_152, %dot_general3A_161 : vector<1024x192xf32>
    %get3A_163 = arith.constant 0 : index
    %get3A_164 = arith.constant 0 : index
    %get3A_165 = vector.load %arg5[%get3A_163, %get3A_164] : memref<1024x128xf32, #tpu.memory_space<vmem>>, vector<1024x128xf32>
    %slice3A_166 = vector.extract_strided_slice %get3A_165 {offsets = [0, 64], sizes = [1024, 64], strides = [1, 1]} : vector<1024x128xf32> to vector<1024x64xf32>
    %get3A_167 = arith.constant 0 : index
    %get3A_168 = arith.constant 0 : index
    %get3A_169 = vector.load %arg11[%get3A_167, %get3A_168] : memref<64x192xf32, #tpu.memory_space<vmem>>, vector<64x192xf32>
    %dot_general3A_170 = arith.constant dense<0.000000e+00> : vector<1024x192xf32>
    %dot_general3A_171 = tpu.matmul %slice3A_166, %get3A_169, %dot_general3A_170 {dimension_numbers = #tpu.dot_dimension_numbers<[1], [0], [0], [1], [0, 0, 1, 1], [], []>, transpose_lhs_hint = false} : vector<1024x64xf32>, vector<64x192xf32>, vector<1024x192xf32> -> vector<1024x192xf32>
    %add3A_172 = arith.addf %add3A_162, %dot_general3A_171 : vector<1024x192xf32>
    %get3A_173 = arith.constant 0 : index
    %get3A_174 = arith.constant 0 : index
    %get3A_175 = vector.load %arg6[%get3A_173, %get3A_174] : memref<1024x128xf32, #tpu.memory_space<vmem>>, vector<1024x128xf32>
    %slice3A_176 = vector.extract_strided_slice %get3A_175 {offsets = [0, 64], sizes = [1024, 64], strides = [1, 1]} : vector<1024x128xf32> to vector<1024x64xf32>
    %get3A_177 = arith.constant 0 : index
    %get3A_178 = arith.constant 0 : index
    %get3A_179 = vector.load %arg12[%get3A_177, %get3A_178] : memref<64x192xf32, #tpu.memory_space<vmem>>, vector<64x192xf32>
    %dot_general3A_180 = arith.constant dense<0.000000e+00> : vector<1024x192xf32>
    %dot_general3A_181 = tpu.matmul %slice3A_176, %get3A_179, %dot_general3A_180 {dimension_numbers = #tpu.dot_dimension_numbers<[1], [0], [0], [1], [0, 0, 1, 1], [], []>, transpose_lhs_hint = false} : vector<1024x64xf32>, vector<64x192xf32>, vector<1024x192xf32> -> vector<1024x192xf32>
    %add3A_182 = arith.addf %add3A_172, %dot_general3A_181 : vector<1024x192xf32>
    %get3A_183 = arith.constant 0 : index
    %get3A_184 = arith.constant 0 : index
    %get3A_185 = vector.load %arg7[%get3A_183, %get3A_184] : memref<1024x128xf32, #tpu.memory_space<vmem>>, vector<1024x128xf32>
    %slice3A_186 = vector.extract_strided_slice %get3A_185 {offsets = [0, 64], sizes = [1024, 64], strides = [1, 1]} : vector<1024x128xf32> to vector<1024x64xf32>
    %get3A_187 = arith.constant 0 : index
    %get3A_188 = arith.constant 0 : index
    %get3A_189 = vector.load %arg13[%get3A_187, %get3A_188] : memref<64x192xf32, #tpu.memory_space<vmem>>, vector<64x192xf32>
    %dot_general3A_190 = arith.constant dense<0.000000e+00> : vector<1024x192xf32>
    %dot_general3A_191 = tpu.matmul %slice3A_186, %get3A_189, %dot_general3A_190 {dimension_numbers = #tpu.dot_dimension_numbers<[1], [0], [0], [1], [0, 0, 1, 1], [], []>, transpose_lhs_hint = false} : vector<1024x64xf32>, vector<64x192xf32>, vector<1024x192xf32> -> vector<1024x192xf32>
    %add3A_192 = arith.addf %add3A_182, %dot_general3A_191 : vector<1024x192xf32>
    %get3A_193 = arith.constant 0 : index
    %get3A_194 = arith.constant 0 : index
    %get3A_195 = vector.load %arg8[%get3A_193, %get3A_194] : memref<1024x128xf32, #tpu.memory_space<vmem>>, vector<1024x128xf32>
    %slice3A_196 = vector.extract_strided_slice %get3A_195 {offsets = [0, 64], sizes = [1024, 64], strides = [1, 1]} : vector<1024x128xf32> to vector<1024x64xf32>
    %get3A_197 = arith.constant 0 : index
    %get3A_198 = arith.constant 0 : index
    %get3A_199 = vector.load %arg14[%get3A_197, %get3A_198] : memref<64x192xf32, #tpu.memory_space<vmem>>, vector<64x192xf32>
    %dot_general3A_200 = arith.constant dense<0.000000e+00> : vector<1024x192xf32>
    %dot_general3A_201 = tpu.matmul %slice3A_196, %get3A_199, %dot_general3A_200 {dimension_numbers = #tpu.dot_dimension_numbers<[1], [0], [0], [1], [0, 0, 1, 1], [], []>, transpose_lhs_hint = false} : vector<1024x64xf32>, vector<64x192xf32>, vector<1024x192xf32> -> vector<1024x192xf32>
    %add3A_202 = arith.addf %add3A_192, %dot_general3A_201 : vector<1024x192xf32>
    %get3A_203 = arith.constant 0 : index
    %get3A_204 = arith.constant 0 : index
    %get3A_205 = vector.load %arg4[%get3A_203, %get3A_204] : memref<1024x128xf32, #tpu.memory_space<vmem>>, vector<1024x128xf32>
    %slice3A_206 = vector.extract_strided_slice %get3A_205 {offsets = [0, 64], sizes = [1024, 64], strides = [1, 1]} : vector<1024x128xf32> to vector<1024x64xf32>
    %get3A_207 = arith.constant 0 : index
    %get3A_208 = arith.constant 0 : index
    %get3A_209 = vector.load %arg15[%get3A_207, %get3A_208] : memref<64x192xf32, #tpu.memory_space<vmem>>, vector<64x192xf32>
    %dot_general3A_210 = arith.constant dense<0.000000e+00> : vector<1024x192xf32>
    %dot_general3A_211 = tpu.matmul %slice3A_206, %get3A_209, %dot_general3A_210 {dimension_numbers = #tpu.dot_dimension_numbers<[1], [0], [0], [1], [0, 0, 1, 1], [], []>, transpose_lhs_hint = false} : vector<1024x64xf32>, vector<64x192xf32>, vector<1024x192xf32> -> vector<1024x192xf32>
    %get3A_212 = arith.constant 0 : index
    %get3A_213 = arith.constant 0 : index
    %get3A_214 = vector.load %arg5[%get3A_212, %get3A_213] : memref<1024x128xf32, #tpu.memory_space<vmem>>, vector<1024x128xf32>
    %slice3A_215 = vector.extract_strided_slice %get3A_214 {offsets = [0, 64], sizes = [1024, 64], strides = [1, 1]} : vector<1024x128xf32> to vector<1024x64xf32>
    %get3A_216 = arith.constant 0 : index
    %get3A_217 = arith.constant 0 : index
    %get3A_218 = vector.load %arg16[%get3A_216, %get3A_217] : memref<64x192xf32, #tpu.memory_space<vmem>>, vector<64x192xf32>
    %dot_general3A_219 = arith.constant dense<0.000000e+00> : vector<1024x192xf32>
    %dot_general3A_220 = tpu.matmul %slice3A_215, %get3A_218, %dot_general3A_219 {dimension_numbers = #tpu.dot_dimension_numbers<[1], [0], [0], [1], [0, 0, 1, 1], [], []>, transpose_lhs_hint = false} : vector<1024x64xf32>, vector<64x192xf32>, vector<1024x192xf32> -> vector<1024x192xf32>
    %add3A_221 = arith.addf %dot_general3A_211, %dot_general3A_220 : vector<1024x192xf32>
    %get3A_222 = arith.constant 0 : index
    %get3A_223 = arith.constant 0 : index
    %get3A_224 = vector.load %arg6[%get3A_222, %get3A_223] : memref<1024x128xf32, #tpu.memory_space<vmem>>, vector<1024x128xf32>
    %slice3A_225 = vector.extract_strided_slice %get3A_224 {offsets = [0, 64], sizes = [1024, 64], strides = [1, 1]} : vector<1024x128xf32> to vector<1024x64xf32>
    %get3A_226 = arith.constant 0 : index
    %get3A_227 = arith.constant 0 : index
    %get3A_228 = vector.load %arg17[%get3A_226, %get3A_227] : memref<64x192xf32, #tpu.memory_space<vmem>>, vector<64x192xf32>
    %dot_general3A_229 = arith.constant dense<0.000000e+00> : vector<1024x192xf32>
    %dot_general3A_230 = tpu.matmul %slice3A_225, %get3A_228, %dot_general3A_229 {dimension_numbers = #tpu.dot_dimension_numbers<[1], [0], [0], [1], [0, 0, 1, 1], [], []>, transpose_lhs_hint = false} : vector<1024x64xf32>, vector<64x192xf32>, vector<1024x192xf32> -> vector<1024x192xf32>
    %add3A_231 = arith.addf %add3A_221, %dot_general3A_230 : vector<1024x192xf32>
    %get3A_232 = arith.constant 0 : index
    %get3A_233 = arith.constant 1 : index
    %get3A_234 = arith.constant 0 : index
    %get3A_235 = vector.load %arg1[%get3A_232, %get3A_233, %get3A_234] : memref<1x2x1024xf32, #tpu.memory_space<vmem>>, vector<1x1x1024xf32>
    %get3A_236 = vector.shape_cast %get3A_235 : vector<1x1x1024xf32> to vector<1024xf32>
    %broadcast_in_dim3A_237 = vector.shape_cast %get3A_236 : vector<1024xf32> to vector<1024x1xf32>
    %get3A_238 = arith.constant 0 : index
    %get3A_239 = arith.constant 1 : index
    %get3A_240 = arith.constant 0 : index
    %get3A_241 = vector.load %arg2[%get3A_238, %get3A_239, %get3A_240] : memref<1x2x1024xf32, #tpu.memory_space<vmem>>, vector<1x1x1024xf32>
    %get3A_242 = vector.shape_cast %get3A_241 : vector<1x1x1024xf32> to vector<1024xf32>
    %broadcast_in_dim3A_243 = vector.shape_cast %get3A_242 : vector<1024xf32> to vector<1024x1xf32>
    %get3A_244 = arith.constant 0 : index
    %get3A_245 = arith.constant 0 : index
    %get3A_246 = vector.load %arg18[%get3A_244, %get3A_245] : memref<1x192xf32, #tpu.memory_space<vmem>>, vector<1x192xf32>
    %mul3A_247 = vector.broadcast %broadcast_in_dim3A_237 : vector<1024x1xf32> to vector<1024x192xf32>
    %mul3A_248 = vector.broadcast %get3A_246 : vector<1x192xf32> to vector<1024x192xf32>
    %mul3A_249 = arith.mulf %mul3A_247, %mul3A_248 : vector<1024x192xf32>
    %add3A_250 = arith.addf %add3A_202, %mul3A_249 : vector<1024x192xf32>
    %get3A_251 = arith.constant 0 : index
    %get3A_252 = arith.constant 0 : index
    %get3A_253 = vector.load %arg19[%get3A_251, %get3A_252] : memref<1x192xf32, #tpu.memory_space<vmem>>, vector<1x192xf32>
    %mul3A_254 = vector.broadcast %broadcast_in_dim3A_243 : vector<1024x1xf32> to vector<1024x192xf32>
    %mul3A_255 = vector.broadcast %get3A_253 : vector<1x192xf32> to vector<1024x192xf32>
    %mul3A_256 = arith.mulf %mul3A_254, %mul3A_255 : vector<1024x192xf32>
    %add3A_257 = arith.addf %add3A_250, %mul3A_256 : vector<1024x192xf32>
    %get3A_258 = arith.constant 0 : index
    %get3A_259 = arith.constant 0 : index
    %get3A_260 = vector.load %arg22[%get3A_258, %get3A_259] : memref<1x192xf32, #tpu.memory_space<vmem>>, vector<1x192xf32>
    %add3A_261 = vector.broadcast %get3A_260 : vector<1x192xf32> to vector<1024x192xf32>
    %add3A_262 = arith.addf %add3A_257, %add3A_261 : vector<1024x192xf32>
    %get3A_263 = arith.constant 0 : index
    %get3A_264 = arith.constant 0 : index
    %get3A_265 = vector.load %arg20[%get3A_263, %get3A_264] : memref<1x192xf32, #tpu.memory_space<vmem>>, vector<1x192xf32>
    %mul3A_266 = vector.broadcast %broadcast_in_dim3A_237 : vector<1024x1xf32> to vector<1024x192xf32>
    %mul3A_267 = vector.broadcast %get3A_265 : vector<1x192xf32> to vector<1024x192xf32>
    %mul3A_268 = arith.mulf %mul3A_266, %mul3A_267 : vector<1024x192xf32>
    %add3A_269 = arith.addf %add3A_231, %mul3A_268 : vector<1024x192xf32>
    %get3A_270 = arith.constant 0 : index
    %get3A_271 = arith.constant 0 : index
    %get3A_272 = vector.load %arg21[%get3A_270, %get3A_271] : memref<1x192xf32, #tpu.memory_space<vmem>>, vector<1x192xf32>
    %mul3A_273 = vector.broadcast %broadcast_in_dim3A_243 : vector<1024x1xf32> to vector<1024x192xf32>
    %mul3A_274 = vector.broadcast %get3A_272 : vector<1x192xf32> to vector<1024x192xf32>
    %mul3A_275 = arith.mulf %mul3A_273, %mul3A_274 : vector<1024x192xf32>
    %add3A_276 = arith.addf %add3A_269, %mul3A_275 : vector<1024x192xf32>
    %get3A_277 = arith.constant 0 : index
    %get3A_278 = arith.constant 0 : index
    %get3A_279 = vector.load %arg23[%get3A_277, %get3A_278] : memref<1x192xf32, #tpu.memory_space<vmem>>, vector<1x192xf32>
    %add3A_280 = vector.broadcast %get3A_279 : vector<1x192xf32> to vector<1024x192xf32>
    %add3A_281 = arith.addf %add3A_276, %add3A_280 : vector<1024x192xf32>
    %transpose3A_282 = tpu.transpose %add3A_262, [1, 0] : vector<1024x192xf32> -> vector<192x1024xf32>
    %swap3A_283 = arith.constant 1 : index
    %swap3A_284 = arith.constant 0 : index
    %swap3A_285 = arith.constant 0 : index
    %swap3A_286 = vector.load %arg25[%swap3A_283, %swap3A_284, %swap3A_285] : memref<2x192x1024xf32, #tpu.memory_space<vmem>>, vector<1x192x1024xf32>
    %swap3A_287 = vector.shape_cast %swap3A_286 : vector<1x192x1024xf32> to vector<192x1024xf32>
    %swap3A_288 = vector.shape_cast %transpose3A_282 : vector<192x1024xf32> to vector<1x192x1024xf32>
    tpu.vector_store %arg25[%swap3A_283, %swap3A_284, %swap3A_285], %swap3A_288 {strides = array<i32>} : memref<2x192x1024xf32, #tpu.memory_space<vmem>>, vector<1x192x1024xf32>,
    %transpose3A_289 = tpu.transpose %add3A_281, [1, 0] : vector<1024x192xf32> -> vector<192x1024xf32>
    %swap3A_290 = arith.constant 1 : index
    %swap3A_291 = arith.constant 0 : index
    %swap3A_292 = arith.constant 0 : index
    %swap3A_293 = vector.load %arg24[%swap3A_290, %swap3A_291, %swap3A_292] : memref<2x192x1024xf32, #tpu.memory_space<vmem>>, vector<1x192x1024xf32>
    %swap3A_294 = vector.shape_cast %swap3A_293 : vector<1x192x1024xf32> to vector<192x1024xf32>
    %swap3A_295 = vector.shape_cast %transpose3A_289 : vector<192x1024xf32> to vector<1x192x1024xf32>
    tpu.vector_store %arg24[%swap3A_290, %swap3A_291, %swap3A_292], %swap3A_295 {strides = array<i32>} : memref<2x192x1024xf32, #tpu.memory_space<vmem>>, vector<1x192x1024xf32>,
    return
  }
  func.func @transform_0(%arg0: i32) -> (i32, i32, i32) {
    %c0_i32 = arith.constant 0 : i32
    %c0_i32_0 = arith.constant 0 : i32
    %c0_i32_1 = arith.constant 0 : i32
    return %arg0, %c0_i32, %c0_i32_0 : i32, i32, i32
  }
  func.func @transform_1(%arg0: i32) -> (i32, i32, i32) {
    %c0_i32 = arith.constant 0 : i32
    %c0_i32_0 = arith.constant 0 : i32
    %c0_i32_1 = arith.constant 0 : i32
    return %arg0, %c0_i32, %c0_i32_0 : i32, i32, i32
  }
  func.func @transform_2(%arg0: i32) -> (i32, i32) {
    %c0_i32 = arith.constant 0 : i32
    %c0_i32_0 = arith.constant 0 : i32
    return %arg0, %c0_i32 : i32, i32
  }
  func.func @transform_3(%arg0: i32) -> (i32, i32) {
    %c0_i32 = arith.constant 0 : i32
    %c0_i32_0 = arith.constant 0 : i32
    return %arg0, %c0_i32 : i32, i32
  }
  func.func @transform_4(%arg0: i32) -> (i32, i32) {
    %c0_i32 = arith.constant 0 : i32
    %c0_i32_0 = arith.constant 0 : i32
    return %arg0, %c0_i32 : i32, i32
  }
  func.func @transform_5(%arg0: i32) -> (i32, i32) {
    %c0_i32 = arith.constant 0 : i32
    %c0_i32_0 = arith.constant 0 : i32
    return %arg0, %c0_i32 : i32, i32
  }
  func.func @transform_6(%arg0: i32) -> (i32, i32) {
    %c0_i32 = arith.constant 0 : i32
    %c0_i32_0 = arith.constant 0 : i32
    return %arg0, %c0_i32 : i32, i32
  }
  func.func @transform_7(%arg0: i32) -> (i32, i32) {
    %c0_i32 = arith.constant 0 : i32
    %c0_i32_0 = arith.constant 0 : i32
    return %arg0, %c0_i32 : i32, i32
  }
  func.func @transform_8(%arg0: i32) -> (i32, i32) {
    %c0_i32 = arith.constant 0 : i32
    %c0_i32_0 = arith.constant 0 : i32
    %c0_i32_1 = arith.constant 0 : i32
    return %c0_i32, %c0_i32_0 : i32, i32
  }
  func.func @transform_9(%arg0: i32) -> (i32, i32) {
    %c0_i32 = arith.constant 0 : i32
    %c0_i32_0 = arith.constant 0 : i32
    %c0_i32_1 = arith.constant 0 : i32
    return %c0_i32, %c0_i32_0 : i32, i32
  }
  func.func @transform_10(%arg0: i32) -> (i32, i32) {
    %c0_i32 = arith.constant 0 : i32
    %c0_i32_0 = arith.constant 0 : i32
    %c0_i32_1 = arith.constant 0 : i32
    return %c0_i32, %c0_i32_0 : i32, i32
  }
  func.func @transform_11(%arg0: i32) -> (i32, i32) {
    %c0_i32 = arith.constant 0 : i32
    %c0_i32_0 = arith.constant 0 : i32
    %c0_i32_1 = arith.constant 0 : i32
    return %c0_i32, %c0_i32_0 : i32, i32
  }
  func.func @transform_12(%arg0: i32) -> (i32, i32) {
    %c0_i32 = arith.constant 0 : i32
    %c0_i32_0 = arith.constant 0 : i32
    %c0_i32_1 = arith.constant 0 : i32
    return %c0_i32, %c0_i32_0 : i32, i32
  }
  func.func @transform_13(%arg0: i32) -> (i32, i32) {
    %c0_i32 = arith.constant 0 : i32
    %c0_i32_0 = arith.constant 0 : i32
    %c0_i32_1 = arith.constant 0 : i32
    return %c0_i32, %c0_i32_0 : i32, i32
  }
  func.func @transform_14(%arg0: i32) -> (i32, i32) {
    %c0_i32 = arith.constant 0 : i32
    %c0_i32_0 = arith.constant 0 : i32
    %c0_i32_1 = arith.constant 0 : i32
    return %c0_i32, %c0_i32_0 : i32, i32
  }
  func.func @transform_15(%arg0: i32) -> (i32, i32) {
    %c0_i32 = arith.constant 0 : i32
    %c0_i32_0 = arith.constant 0 : i32
    %c0_i32_1 = arith.constant 0 : i32
    return %c0_i32, %c0_i32_0 : i32, i32
  }
  func.func @transform_16(%arg0: i32) -> (i32, i32) {
    %c0_i32 = arith.constant 0 : i32
    %c0_i32_0 = arith.constant 0 : i32
    %c0_i32_1 = arith.constant 0 : i32
    return %c0_i32, %c0_i32_0 : i32, i32
  }
  func.func @transform_17(%arg0: i32) -> (i32, i32) {
    %c0_i32 = arith.constant 0 : i32
    %c0_i32_0 = arith.constant 0 : i32
    %c0_i32_1 = arith.constant 0 : i32
    return %c0_i32, %c0_i32_0 : i32, i32
  }
  func.func @transform_18(%arg0: i32) -> (i32, i32) {
    %c0_i32 = arith.constant 0 : i32
    %c0_i32_0 = arith.constant 0 : i32
    %c0_i32_1 = arith.constant 0 : i32
    return %c0_i32, %c0_i32_0 : i32, i32
  }
  func.func @transform_19(%arg0: i32) -> (i32, i32) {
    %c0_i32 = arith.constant 0 : i32
    %c0_i32_0 = arith.constant 0 : i32
    %c0_i32_1 = arith.constant 0 : i32
    return %c0_i32, %c0_i32_0 : i32, i32
  }
  func.func @transform_20(%arg0: i32) -> (i32, i32) {
    %c0_i32 = arith.constant 0 : i32
    %c0_i32_0 = arith.constant 0 : i32
    %c0_i32_1 = arith.constant 0 : i32
    return %c0_i32, %c0_i32_0 : i32, i32
  }
  func.func @transform_21(%arg0: i32) -> (i32, i32) {
    %c0_i32 = arith.constant 0 : i32
    %c0_i32_0 = arith.constant 0 : i32
    %c0_i32_1 = arith.constant 0 : i32
    return %c0_i32, %c0_i32_0 : i32, i32
  }
  func.func @transform_22(%arg0: i32) -> (i32, i32) {
    %c0_i32 = arith.constant 0 : i32
    %c0_i32_0 = arith.constant 0 : i32
    %c0_i32_1 = arith.constant 0 : i32
    return %c0_i32, %c0_i32_0 : i32, i32
  }
  func.func @transform_23(%arg0: i32) -> (i32, i32, i32) {
    %c0_i32 = arith.constant 0 : i32
    %c0_i32_0 = arith.constant 0 : i32
    %c0_i32_1 = arith.constant 0 : i32
    return %arg0, %c0_i32, %c0_i32_0 : i32, i32, i32
  }
  func.func @transform_24(%arg0: i32) -> (i32, i32, i32) {
    %c0_i32 = arith.constant 0 : i32
    %c0_i32_0 = arith.constant 0 : i32
    %c0_i32_1 = arith.constant 0 : i32
    return %arg0, %c0_i32, %c0_i32_0 : i32, i32, i32
  }
}

</mosaic_0001>

<sc_bundles>
// kernel: kernel.4.cloned.1.call-start
scs
__scs_entry_jumppad:
0x0: {  	(pc) =	sbr.rel $0x88, $3  }
0x1: {  	(tag) =	ssettag $0x0;
	lr =	simm.s32 $0x1  }
0x2: {  	[smem:$0x3F8F] =	sst lr;
	_ =	strace $0xD0000000  }
0x3: {  	_ = 	snop  }
0x4: {  	_ = 	snop  }
0x5: {  	_ = 	snop  }
0x6: {  	_ = 	snop  }
0x7: {  	_ = 	snop  }
__scs_overlays_trampoline_lowered:
0x8: {  	[smem:$0x3F9E] =	sst s0  }
0x9: {  	[smem:$0x3F9F] =	sst s1  }
0xa: {  	[smem:$0x3FA0] =	sst s2  }
0xb: {  	[smem:$0x3FA1] =	sst s3  }
0xc: {  	[smem:$0x3FA2] =	sst s4  }
0xd: {  	[smem:$0x3FA3] =	sst s5  }
0xe: {  	[smem:$0x3FA4] =	sst s6  }
0xf: {  	[smem:$0x3FA5] =	sst s7  }
0x10: {  	[smem:$0x3FA6] =	sst s8  }
0x11: {  	[smem:$0x3FA7] =	sst s9;
	s0 =	simm.s32 @!p0 $0x0  }
0x12: {  	s1 =	sld [smem:$0x3F8D];
	s0 =	simm.s32 @p0 $0x1  }
0x13: {  	[smem:$0x3FA8] =	sst s0;
	s0 =	simm.s32 @!p1 $0x0  }
0x14: {  	s2 =	sld [smem:$0x3F8C];
	s0 =	simm.s32 @p1 $0x1  }
0x15: {  	[smem:$0x3FA9] =	sst s0;
	s0 =	simm.s32 @!p2 $0x0  }
0x16: {  	s3 =	sld [smem:$0x3FDB];
	s0 =	simm.s32 @p2 $0x1  }
0x17: {  	s4 =	simm.s32 $0x1BF5;
	[smem:$0x3FAB] =	sst s0  }
0x18: {  	s0 =	sld [smem:$0x3F8E];
	_ =	swait.ge [sflag:s4], $0x0  }
0x19: {  	s7 =	sld [smem:$0x3F8F]  }
0x1a: {  	s8 =	sadd.s32 $0xFFFFE003, lr  }
0x1b: {  	s9 =	sadd.s32 $0xFFFFFEF7, lr;
	s5 =	simm.s32 $0xFFFFFFFF;
	p2 =	slt.u32 s8, $0xFFFFF086  }
0x1c: {  	p1 =	slt.u32 s9, $0xF7A;
	s5 =	simm.s32 @!p2 $0x0  }
0x1d: {  	s5 =	simm.s32 @p1 $0x1;
	p0 =	seq.s32 s7, s2  }
0x1e: {  	s7 =	smul.u32 @!p0 $0xF7A, s2;
	p2 =	seq.s32 @!p0 s5, $0x0  }
0x1f: {  	s9 =	smul.u32 $0xF7A, s1;
	s8 =	simm.s32 @!p0 $0x1BF5;
	p2 =	por !p2, p0  }
0x20: {  	[sflag:s8] =	ssyncset.s32 @!p0 $0xFFFFF086;
	s6 =	sadd.s32 @!p0 s3, s7;
	s7 =	simm.s32 @!p0 $0x108  }
0x21: {  	s3 =	sadd.s32 s3, s9;
	s6 =	sadd.s32 @!p0 $0x88, s6;
	s7 =	simm.s32 @p2 $0x1082  }
0x22: {  	[simem:s7], [sflag:s8] =	dma.local @!p0 [hbm:s6], $0xF7A  }
0x23: {  	s9 =	sor.u32 $0xD0000000, s2;
	s6 =	simm.s32 $0x108;
	_ =	swait.ge @!p0 [sflag:s8], $0x0  }
0x24: {  	s3 =	sadd.s32 $0x88, s3;
	s6 =	simm.s32 @!p1 $0x1082;
	[sflag:s4] =	ssyncset.s32 $0xFFFFF086  }
0x25: {  	[simem:s6], [sflag:s4] =	dma.local [hbm:s3], $0xF7A  }
0x26: {  	[smem:$0x3F8F] =	sst s1;
	(tag) =	ssettag s2;
	_ =	strace s9  }
0x27: {  	s1 =	sld [smem:$0x3F9F]  }
0x28: {  	s2 =	sld [smem:$0x3FA0]  }
0x29: {  	s4 =	sld [smem:$0x3FA2]  }
0x2a: {  	p0 =	seq.s32 s5, $0x0;
	s5 =	sld [smem:$0x3FA3]  }
0x2b: {  	s6 =	sld [smem:$0x3FA4]  }
0x2c: {  	s7 =	sld [smem:$0x3FA5]  }
0x2d: {  	s3 =	simm.s32 $0x108;
	s8 =	sld [smem:$0x3FA6]  }
0x2e: {  	s3 =	simm.s32 @!p0 $0x1082;
	s9 =	sld [smem:$0x3FA7]  }
0x2f: {  	lr =	sadd.s32 s0, s3;
	s0 =	sld [smem:$0x3F9E]  }
0x30: {  	s3 =	sld [smem:$0x3FA1]  }
0x31: {  	[smem:$0x3FAA] =	sst s10  }
0x32: {  	s10 =	sld [smem:$0x3FA8];
	_ =	sdelay $0x3  }
0x33: {  	p0 =	seq.s32 s10, $0x1;
	s10 =	sld [smem:$0x3FAA];
	_ =	sdelay $0x3  }
0x34: {  	[smem:$0x3FAA] =	sst s10  }
0x35: {  	s10 =	sld [smem:$0x3FA9];
	_ =	sdelay $0x3  }
0x36: {  	p1 =	seq.s32 s10, $0x1;
	s10 =	sld [smem:$0x3FAA];
	_ =	sdelay $0x3  }
0x37: {  	[smem:$0x3FAA] =	sst s10  }
0x38: {  	s10 =	sld [smem:$0x3FAB]  }
0x39: {  	_ = 	snop;
	(pc) =	sbr.ind lr, $3  }
0x3a: {  	_ = 	snop  }
0x3b: {  	_ = 	snop  }
0x3c: {  	p2 =	seq.s32 s10, $0x1;
	s10 =	sld [smem:$0x3FAA]  }
0x3d: {  	_ =	shalt  }
0x3e: {  	_ =	shalt  }
0x3f: {  	_ =	shalt  }
0x40: {  	_ =	shalt  }
0x41: {  	_ =	shalt  }
0x42: {  	_ =	shalt  }
0x43: {  	_ =	shalt  }
0x44: {  	_ =	shalt  }
0x45: {  	_ =	shalt  }
0x46: {  	_ =	shalt  }
0x47: {  	_ =	shalt  }
0x48: {  	_ =	shalt  }
0x49: {  	_ =	shalt  }
0x4a: {  	_ =	shalt  }
0x4b: {  	_ =	shalt  }
0x4c: {  	_ =	shalt  }
0x4d: {  	_ =	shalt  }
0x4e: {  	_ =	shalt  }
0x4f: {  	_ =	shalt  }
0x50: {  	_ =	shalt  }
0x51: {  	_ =	shalt  }
0x52: {  	_ =	shalt  }
0x53: {  	_ =	shalt  }
0x54: {  	_ =	shalt  }
0x55: {  	_ =	shalt  }
0x56: {  	_ =	shalt  }
0x57: {  	_ =	shalt  }
0x58: {  	_ =	shalt  }
0x59: {  	_ =	shalt  }
0x5a: {  	_ =	shalt  }
0x5b: {  	_ =	shalt  }
0x5c: {  	_ =	shalt  }
0x5d: {  	_ =	shalt  }
0x5e: {  	_ =	shalt  }
0x5f: {  	_ =	shalt  }
0x60: {  	_ =	shalt  }
0x61: {  	_ =	shalt  }
0x62: {  	_ =	shalt  }
0x63: {  	_ =	shalt  }
0x64: {  	_ =	shalt  }
0x65: {  	_ =	shalt  }
0x66: {  	_ =	shalt  }
0x67: {  	_ =	shalt  }
0x68: {  	_ =	shalt  }
0x69: {  	_ =	shalt  }
0x6a: {  	_ =	shalt  }
0x6b: {  	_ =	shalt  }
0x6c: {  	_ =	shalt  }
0x6d: {  	_ =	shalt  }
0x6e: {  	_ =	shalt  }
0x6f: {  	_ =	shalt  }
0x70: {  	_ =	shalt  }
0x71: {  	_ =	shalt  }
0x72: {  	_ =	shalt  }
0x73: {  	_ =	shalt  }
0x74: {  	_ =	shalt  }
0x75: {  	_ =	shalt  }
0x76: {  	_ =	shalt  }
0x77: {  	_ =	shalt  }
0x78: {  	_ =	shalt  }
0x79: {  	_ =	shalt  }
0x7a: {  	_ =	shalt  }
0x7b: {  	_ =	shalt  }
0x7c: {  	_ =	shalt  }
0x7d: {  	_ =	shalt  }
0x7e: {  	_ =	shalt  }
0x7f: {  	_ =	shalt  }
0x80: {  	_ =	shalt  }
0x81: {  	_ =	shalt  }
0x82: {  	_ =	shalt  }
0x83: {  	_ =	shalt  }
0x84: {  	_ =	shalt  }
0x85: {  	_ =	shalt  }
0x86: {  	_ =	shalt  }
0x87: {  	_ =	shalt  }
.Lfunc_end0:
.L_simem_size_0:
called_computation_lowered:
.L_overlay_start_0:
0x88: {  	s2 =	sld [smem:$0x3FD9]  }
0x89: {  	s3 =	sld [smem:$0x3FFE];
	_ =	sdelay $0x1  }
0x8a: {  	s1 =	srdreg.scid  }
0x8b: {  	s0 =	sand.u32 $0x1, s1  }
0x8c: {  	s14 =	sshll.u32 s0, $0xA;
	s2 =	sadd.s32 s3, s2  }
0x8d: {  	s2 =	sadd.s32 s2, s14  }
0x8e: {  	[smem:$0x3FB6] =	sst s2  }
0x8f: {  	_ = 	snop  }
0x90: {  	s2 =	sld [smem:$0x3FD0];
	_ =	sdelay $0x2  }
0x91: {  	s15 =	simm.s32 $0xA;
	s4 =	simm.s32 $0x10  }
0x92: {  	[smem:s4], [sflag:s15] =	dma.local [hbm:s2], $0x1  }
0x93: {  	_ =	swait.eq [sflag:s15], $0x1  }
0x94: {  	[sflag:s15] =	ssyncset.done $0x0  }
0x95: {  	[sflag:s15] =	ssyncadd.s32 $0xFFFFFFFF  }
0x96: {  	s16 =	sld [smem:$0x10];
	(tm) =	ssettm $0x1  }
0x97: {  	s17 =	sld [smem:$0x3FFB];
	_ =	sdelay $0x3  }
0x98: {  	_ =	strace s17  }
0x99: {  	s3 =	sld [smem:$0x3FFC];
	_ =	sdelay $0x3  }
0x9a: {  	_ =	strace s3  }
0x9b: {  	s3 =	sld [smem:$0x3FFD];
	_ =	sdelay $0x3  }
0x9c: {  	_ =	strace s3  }
0x9d: {  	_ =	strace $0x8FFFFFFF  }
0x9e: {  	s18 =	sld [smem:$0x3FDB];
	_ =	sdelay $0x1  }
0x9f: {  	s19 =	simm.s32 $_scs_section_size  }
0xa0: {  	s5 =	simm.s32 $_size__tile_overlayer_lowered;
	s6 =	simm.s32 $_tile_overlayer_lowered  }
0xa1: {  	s22 =	simm.s32 $0x1BFF;
	s21 =	sshll.u32 s6, $0x1;
	s3 =	sadd.s32 s19, s18  }
0xa2: {  	s7 =	simm.s32 $0x0;
	s20 =	sshll.u32 s5, $0x1;
	s5 =	sadd.s32 s21, s3  }
0xa3: {  	[timem:s7], [sflag:s22] =	dma.local [hbm:s5], s20  }
0xa4: {  	_ =	swait.ge [sflag:s22], s20  }
0xa5: {  	s4 =	ssub.s32 $0x0, s20;
	[sflag:s22] =	ssyncset.done $0x0  }
0xa6: {  	[sflag:s22] =	ssyncadd.s32 s4;
	_ =	sdelay $0x1  }
0xa7: {  	s23 =	simm.s32 $0x1B8B  }
0xa8: {  	_ =	swait.ge [sflag:s23], $0x1  }
0xa9: {  	[sflag:s23] =	ssyncset.done $0x0  }
0xaa: {  	s25 =	simm.s32 $0x1B8E;
	s24 =	sld [smem:$0x3FFE];
	[sflag:s23] =	ssyncadd.s32 $0xFFFFFFFF  }
0xab: {  	s26 =	simm.s32 $execute0_lowered;
	[smem:$0x3FD2] =	sst s25  }
0xac: {  	s5 =	sshll.u32 s26, $0x1;
	_ =	strace $0x80000046;
	[dreg:$0x1] =	wrdreg $0xFFFFFFFF  }
0xad: {  	s28 =	simm.s32 $_size_execute0_lowered;
	s3 =	sadd.s32 s3, s5;
	[dreg:$0x0] =	wrdreg $0x0  }
0xae: {  	s5 =	sshll.u32 s28, $0x1;
	[dreg:$0x2] =	wrdreg s3  }
0xaf: {  	[dreg:$0x3] =	wrdreg s5  }
0xb0: {  	[dreg:$0x4] =	wrdreg $0xC0  }
0xb1: {  	_ =	task [dreg:s7], $0x5FFFF  }
0xb2: {  	[dreg:$0x1] =	wrdreg $0xFFFFFFFF  }
0xb3: {  	[dreg:$0x0] =	wrdreg $0x60  }
0xb4: {  	[dreg:$0x2] =	wrdreg s24  }
0xb5: {  	[dreg:$0x3] =	wrdreg s16  }
0xb6: {  	[dreg:$0x4] =	wrdreg $0x9  }
0xb7: {  	_ =	task.clear_ibuf [dreg:s7], $0x5FFFF;
	_ =	strace $0x90000046  }
0xb8: {  	s29 =	simm.s32 $0x9;
	_ =	strace $0x80000048  }
0xb9: {  	_ =	swait.ge [sflag:s29], $0x1  }
0xba: {  	[sflag:s29] =	ssyncadd.s32 $0xFFFFFFFF  }
0xbb: {  	_ =	strace $0x90000048  }
0xbc: {  	_ =	sfence  }
0xbd: {  	s30 =	sld [smem:$0x0];
	_ =	sdelay $0x2  }
0xbe: {  	s31 =	sshll.u32 s1, $0xD;
	s1 =	sshrl.u32 s1, $0x2  }
0xbf: {  	s3 =	sand.u32 $0x4000, s31;
	s1 =	sadd.s32 s1, s30  }
0xc0: {  	s0 =	sor.u32 s3, s0;
	s1 =	sshll.u32 s1, $0x11  }
0xc1: {  	s0 =	sor.u32 s1, s0  }
0xc2: {  	s0 =	sadd.s32 $0x8F2B, s0  }
0xc3: {  	[sflag:s0] =	ssyncadd.remote.s32 $0x1  }
0xc4: {  	_ =	sfence.sel $0xFFFF  }
0xc5: {  	[dreg:$0x0] =	wrdreg $0xFFFFFFFF;
	(pc) =	sbr.abs _section_cstart, $3  }
0xc6: {  	[dreg:$0x1] =	wrdreg $0xFFFFFFFF  }
0xc7: {  	_ =	task.clear_ibuf [dreg:s7], $0x2FFFF;
	_ =	strace $0x9FFFFFFF  }
0xc8: {  	(tm) =	ssettm $0x7FFFFFFF  }
0xc9: {  	_ =	shalt  }
tec
execute0_lowered:
.L_overlay_start_1:
0x0: {  	(tag) =	ssettag $0x1  }
0x1: {  	s0 =	rddreg [dreg:$0x0]  }
0x2: {  	s1 =	rddreg [dreg:$0x1]  }
0x3: {  	s18 =	srdreg.scid;
	s6 =	stileid.u32;
	s10 =	simm.s32 $0x80  }
0x4: {  	s11 =	simm.s32 $0x100;
	s12 =	simm.s32 $0x180;
	s13 =	simm.s32 $0x200  }
0x5: {  	s14 =	simm.s32 $0x280;
	s15 =	simm.s32 $0x1;
	s16 =	simm.s32 $0x300  }
0x6: {  	[dreg:$0x4] =	wrdreg s1;
	s1 =	simm.s32 $0x0;
	s2 =	sadd.s32 $0x4400, s0  }
0x7: {  	s17 =	sadd.s32 $0x25A00, s0;
	s3 =	sadd.s32 $0x4600, s0;
	[smem:$0x7FF] =	sst s1  }
0x8: {  	s4 =	smul.u32 $0x19000, s6;
	_ =	strace $0x80000047;
	[dreg:$0x3] =	wrdreg s2  }
0x9: {  	s19 =	sadd.s32 $0x39400, s0;
	s20 =	smul.u32 $0x3200, s6;
	[dreg:$0x5] =	wrdreg s17  }
0xa: {  	s21 =	sadd.s32 $0xFCA00, s0;
	s2 =	sand.u32 $0x1, s18;
	[dreg:$0x6] =	wrdreg s3  }
0xb: {  	[dreg:$0x7] =	wrdreg s19;
	s4 =	sadd.s32 s4, s0;
	s5 =	smul.u32 $0xC800, s2  }
0xc: {  	[dreg:$0x8] =	wrdreg s21;
	s17 =	simm.s32 $0x2300;
	s18 =	simm.s32 $0x4300  }
0xd: {  	s19 =	simm.s32 $0x6300;
	s21 =	simm.s32 $0xA300;
	s4 =	sadd.s32 s5, s4  }
0xe: {  	s7 =	smul.u32 $0x1900, s2;
	s2 =	ssub.s32 $0x2, s2;
	s5 =	sadd.s32 $0x996400, s4  }
0xf: {  	s25 =	sshrl.u32 s2, $0x1;
	s22 =	sadd.s32 $0x806400, s4;
	[dreg:$0x9] =	wrdreg s5  }
0x10: {  	s3 =	sadd.s32 s7, s20;
	s23 =	sadd.s32 $0x676400, s4;
	[dreg:$0xa] =	wrdreg s22  }
0x11: {  	s2 =	ssub.s32 s2, s25;
	s24 =	sadd.s32 $0x4E6400, s4;
	[dreg:$0xb] =	wrdreg s23  }
0x12: {  	s20 =	simm.s32 $0x8300;
	s26 =	sadd.s32 $0x356400, s4;
	[dreg:$0xc] =	wrdreg s24  }
0x13: {  	s3 =	sshrl.u32 s3, $0x3;
	s29 =	smax.u32 s2, $0x1;
	[dreg:$0xd] =	wrdreg s26  }
0x14: {  	s4 =	sadd.s32 $0x1C6400, s4;
	s28 =	sadd.s32 s3, s0;
	[dreg:$0xf] =	wrdreg s29  }
0x15: {  	[dreg:$0xe] =	wrdreg s4;
	s22 =	simm.s32 $0x2;
	s23 =	simm.s32 $0x3  }
0x16: {  	s24 =	simm.s32 $0x0;
	s4 =	sadd.s32 $0x12E00, s28;
	s30 =	sadd.s32 $0x1C0000, s28  }
0x17: {  	s0 =	sadd.s32 $0xCA00, s28;
	s31 =	sadd.s32 $0x1F600, s28;
	[dreg:$0x10] =	wrdreg s30  }
0x18: {  	s8 =	sadd.s32 $0x19200, s28;
	s9 =	sadd.s32 $0x6600, s28;
	[dreg:$0x11] =	wrdreg s31  }
.LBB2_1:
0x19: {  	[tilespmem:s1], [sflag:$0x1] =	stream.linear.gather [hbm4b:s9+s1], $0x80, $0x38;
	[tilespmem:$0xC300] =	vst v63  }
0x1a: {  	_ = 	snop  }
0x1b: {  	[tilespmem:s10], [sflag:$0x1] =	stream.linear.gather [hbm4b:s8+s1], $0x80, $0x38;
	[tilespmem:$0xC300] =	vst v63  }
0x1c: {  	s6 =	rddreg [dreg:$0x11]  }
0x1d: {  	[tilespmem:s11], [sflag:$0x1] =	stream.linear.gather [hbm4b:s6+s1], $0x80, $0x38;
	[tilespmem:$0xC300] =	vst v63  }
0x1e: {  	s3 =	rddreg [dreg:$0x10]  }
0x1f: {  	[tilespmem:s12], [sflag:$0x1] =	stream.linear.gather [hbm4b:s3+s1], $0x80, $0x38;
	[tilespmem:$0xC300] =	vst v63  }
0x20: {  	_ = 	snop  }
0x21: {  	[tilespmem:s13], [sflag:$0x1] =	stream.linear.gather [hbm4b:s0+s1], $0x80, $0x38;
	[tilespmem:$0xC300] =	vst v63  }
0x22: {  	_ = 	snop  }
0x23: {  	[tilespmem:s14], [sflag:$0x1] =	stream.linear.gather [hbm4b:s4+s1], $0x80, $0x38;
	[tilespmem:$0xC300] =	vst v63  }
0x24: {  	_ =	swait.ge [sflag:s15], $0x80  }
0x25: {  	[sflag:s15] =	ssyncset.done $0x0  }
0x26: {  	[sflag:s15] =	ssyncadd.s32 $0xFFFFFF80  }
0x27: {  	_ =	swait.ge [sflag:s15], $0x80  }
0x28: {  	[sflag:s15] =	ssyncset.done $0x0  }
0x29: {  	[sflag:s15] =	ssyncadd.s32 $0xFFFFFF80  }
0x2a: {  	_ =	swait.ge [sflag:s15], $0x80  }
0x2b: {  	[sflag:s15] =	ssyncset.done $0x0  }
0x2c: {  	[sflag:s15] =	ssyncadd.s32 $0xFFFFFF80  }
0x2d: {  	_ =	swait.ge [sflag:s15], $0x80  }
0x2e: {  	[sflag:s15] =	ssyncset.done $0x0  }
0x2f: {  	[sflag:s15] =	ssyncadd.s32 $0xFFFFFF80  }
0x30: {  	_ =	swait.ge [sflag:s15], $0x80  }
0x31: {  	[sflag:s15] =	ssyncset.done $0x0  }
0x32: {  	[sflag:s15] =	ssyncadd.s32 $0xFFFFFF80  }
0x33: {  	_ =	swait.ge [sflag:s15], $0x80  }
0x34: {  	[sflag:s15] =	ssyncset.done $0x0  }
0x35: {  	s2 =	rddreg [dreg:$0x3];
	[sflag:s15] =	ssyncadd.s32 $0xFFFFFF80  }
0x36: {  	[tilespmem:s16], [sflag:$0x2] =	stream.indirect.gather [hbm4b:s2+s10], $0x40, s1, s10, $0xb8;
	[tilespmem:$0xC300] =	vst v63  }
0x37: {  	s5 =	rddreg [dreg:$0x4]  }
0x38: {  	[tilespmem:s17], [sflag:$0x2] =	stream.indirect.gather [hbm4b:s5+s10], $0x40, s10, s10, $0xb8;
	[tilespmem:$0xC300] =	vst v63  }
0x39: {  	s7 =	rddreg [dreg:$0x5]  }
0x3a: {  	[tilespmem:s18], [sflag:$0x2] =	stream.indirect.gather [hbm4b:s7+s10], $0x40, s11, s10, $0xb8;
	[tilespmem:$0xC300] =	vst v63  }
0x3b: {  	s25 =	rddreg [dreg:$0x6]  }
0x3c: {  	[tilespmem:s19], [sflag:$0x2] =	stream.indirect.gather [hbm4b:s25+s10], $0x40, s12, s10, $0xb8;
	[tilespmem:$0xC300] =	vst v63  }
0x3d: {  	s26 =	rddreg [dreg:$0x7]  }
0x3e: {  	[tilespmem:s20], [sflag:$0x2] =	stream.indirect.gather [hbm4b:s26+s10], $0x40, s13, s10, $0xb8;
	[tilespmem:$0xC300] =	vst v63  }
0x3f: {  	s7 =	rddreg [dreg:$0x8]  }
0x40: {  	[tilespmem:s21], [sflag:$0x2] =	stream.indirect.gather [hbm4b:s7+s10], $0x40, s14, s10, $0xb8;
	[tilespmem:$0xC300] =	vst v63  }
0x41: {  	_ =	swait.ge [sflag:s22], $0x2000  }
0x42: {  	[sflag:s22] =	ssyncset.done $0x0  }
0x43: {  	[sflag:s22] =	ssyncadd.s32 $0xFFFFE000  }
0x44: {  	_ =	swait.ge [sflag:s22], $0x2000  }
0x45: {  	[sflag:s22] =	ssyncset.done $0x0  }
0x46: {  	[sflag:s22] =	ssyncadd.s32 $0xFFFFE000  }
0x47: {  	_ =	swait.ge [sflag:s22], $0x2000  }
0x48: {  	[sflag:s22] =	ssyncset.done $0x0  }
0x49: {  	[sflag:s22] =	ssyncadd.s32 $0xFFFFE000  }
0x4a: {  	_ =	swait.ge [sflag:s22], $0x2000  }
0x4b: {  	[sflag:s22] =	ssyncset.done $0x0  }
0x4c: {  	[sflag:s22] =	ssyncadd.s32 $0xFFFFE000  }
0x4d: {  	_ =	swait.ge [sflag:s22], $0x2000  }
0x4e: {  	[sflag:s22] =	ssyncset.done $0x0  }
0x4f: {  	[sflag:s22] =	ssyncadd.s32 $0xFFFFE000  }
0x50: {  	_ =	swait.ge [sflag:s22], $0x2000  }
0x51: {  	s25 =	rddreg [dreg:$0xe];
	[sflag:s22] =	ssyncset.done $0x0  }
0x52: {  	s26 =	rddreg [dreg:$0xd];
	[sflag:s22] =	ssyncadd.s32 $0xFFFFE000;
	s2 =	sadd.s32 $0x0, s25  }
0x53: {  	[hbm4b:s2+s1] =	stream.linear.scatter [tilespmem:s16], [sflag:$0x3], $0x2000, $0x38;
	[tilespmem:$0xC300] =	vst v63  }
0x54: {  	s25 =	rddreg [dreg:$0xc];
	s5 =	sadd.s32 $0x0, s26  }
0x55: {  	[hbm4b:s5+s1] =	stream.linear.scatter [tilespmem:s17], [sflag:$0x3], $0x2000, $0x38;
	[tilespmem:$0xC300] =	vst v63  }
0x56: {  	s7 =	rddreg [dreg:$0xb];
	s25 =	sadd.s32 $0x0, s25  }
0x57: {  	[hbm4b:s25+s1] =	stream.linear.scatter [tilespmem:s18], [sflag:$0x3], $0x2000, $0x38;
	[tilespmem:$0xC300] =	vst v63  }
0x58: {  	s26 =	rddreg [dreg:$0xa];
	s5 =	sadd.s32 $0x0, s7  }
0x59: {  	[hbm4b:s5+s1] =	stream.linear.scatter [tilespmem:s19], [sflag:$0x3], $0x2000, $0x38;
	[tilespmem:$0xC300] =	vst v63  }
0x5a: {  	s7 =	rddreg [dreg:$0x9];
	s25 =	sadd.s32 $0x0, s26  }
0x5b: {  	[hbm4b:s25+s1] =	stream.linear.scatter [tilespmem:s20], [sflag:$0x3], $0x2000, $0x38;
	[tilespmem:$0xC300] =	vst v63  }
0x5c: {  	s26 =	sadd.s32 $0x0, s7  }
0x5d: {  	[hbm4b:s26+s1] =	stream.linear.scatter [tilespmem:s21], [sflag:$0x3], $0x2000, $0x38;
	[tilespmem:$0xC300] =	vst v63  }
0x5e: {  	_ =	swait.ge [sflag:s23], $0x2000  }
0x5f: {  	[sflag:s23] =	ssyncset.done $0x0  }
0x60: {  	[sflag:s23] =	ssyncadd.s32 $0xFFFFE000  }
0x61: {  	_ =	swait.ge [sflag:s23], $0x2000  }
0x62: {  	[sflag:s23] =	ssyncset.done $0x0  }
0x63: {  	[sflag:s23] =	ssyncadd.s32 $0xFFFFE000  }
0x64: {  	_ =	swait.ge [sflag:s23], $0x2000  }
0x65: {  	[sflag:s23] =	ssyncset.done $0x0  }
0x66: {  	[sflag:s23] =	ssyncadd.s32 $0xFFFFE000  }
0x67: {  	_ =	swait.ge [sflag:s23], $0x2000  }
0x68: {  	[sflag:s23] =	ssyncset.done $0x0  }
0x69: {  	[sflag:s23] =	ssyncadd.s32 $0xFFFFE000  }
0x6a: {  	_ =	swait.ge [sflag:s23], $0x2000  }
0x6b: {  	s28 =	sadd.s32 $0x10, s9;
	[sflag:s23] =	ssyncset.done $0x0  }
0x6c: {  	s31 =	smov.u32 s4;
	s29 =	sadd.s32 $0x10, s3;
	[sflag:s23] =	ssyncadd.s32 $0xFFFFE000  }
0x6d: {  	s30 =	sadd.s32 $0x10, s6;
	s5 =	smov.u32 s0;
	_ =	swait.ge [sflag:s23], $0x2000  }
0x6e: {  	s25 =	simm.s32 $0x400;
	s26 =	sadd.s32 $0x10, s8;
	[sflag:s23] =	ssyncset.done $0x0  }
.LBB2_2:
0x6f: {  	[sflag:s23] =	ssyncadd.s32 $0xFFFFE000  }
0x70: {  	[tilespmem:s1], [sflag:$0x1] =	stream.linear.gather [hbm4b:s28+s1], $0x80, $0x38;
	[tilespmem:$0xC300] =	vst v63  }
0x71: {  	_ = 	snop  }
0x72: {  	[tilespmem:s10], [sflag:$0x1] =	stream.linear.gather [hbm4b:s26+s1], $0x80, $0x38;
	[tilespmem:$0xC300] =	vst v63  }
0x73: {  	_ = 	snop  }
0x74: {  	[tilespmem:s11], [sflag:$0x1] =	stream.linear.gather [hbm4b:s30+s1], $0x80, $0x38;
	[tilespmem:$0xC300] =	vst v63  }
0x75: {  	_ = 	snop  }
0x76: {  	[tilespmem:s12], [sflag:$0x1] =	stream.linear.gather [hbm4b:s29+s1], $0x80, $0x38;
	[tilespmem:$0xC300] =	vst v63  }
0x77: {  	s5 =	sadd.s32 $0x10, s5  }
0x78: {  	[tilespmem:s13], [sflag:$0x1] =	stream.linear.gather [hbm4b:s5+s1], $0x80, $0x38;
	[tilespmem:$0xC300] =	vst v63  }
0x79: {  	s31 =	sadd.s32 $0x10, s31  }
0x7a: {  	[tilespmem:s14], [sflag:$0x1] =	stream.linear.gather [hbm4b:s31+s1], $0x80, $0x38;
	[tilespmem:$0xC300] =	vst v63  }
0x7b: {  	_ =	swait.ge [sflag:s15], $0x80  }
0x7c: {  	[sflag:s15] =	ssyncset.done $0x0  }
0x7d: {  	[sflag:s15] =	ssyncadd.s32 $0xFFFFFF80  }
0x7e: {  	_ =	swait.ge [sflag:s15], $0x80  }
0x7f: {  	[sflag:s15] =	ssyncset.done $0x0  }
0x80: {  	[sflag:s15] =	ssyncadd.s32 $0xFFFFFF80  }
0x81: {  	_ =	swait.ge [sflag:s15], $0x80  }
0x82: {  	[sflag:s15] =	ssyncset.done $0x0  }
0x83: {  	[sflag:s15] =	ssyncadd.s32 $0xFFFFFF80  }
0x84: {  	_ =	swait.ge [sflag:s15], $0x80  }
0x85: {  	[sflag:s15] =	ssyncset.done $0x0  }
0x86: {  	[sflag:s15] =	ssyncadd.s32 $0xFFFFFF80  }
0x87: {  	_ =	swait.ge [sflag:s15], $0x80  }
0x88: {  	[sflag:s15] =	ssyncset.done $0x0  }
0x89: {  	[sflag:s15] =	ssyncadd.s32 $0xFFFFFF80  }
0x8a: {  	_ =	swait.ge [sflag:s15], $0x80  }
0x8b: {  	[sflag:s15] =	ssyncset.done $0x0  }
0x8c: {  	s3 =	rddreg [dreg:$0x3];
	[sflag:s15] =	ssyncadd.s32 $0xFFFFFF80  }
0x8d: {  	[tilespmem:s16], [sflag:$0x2] =	stream.indirect.gather [hbm4b:s3+s10], $0x40, s1, s10, $0xb8;
	[tilespmem:$0xC300] =	vst v63  }
0x8e: {  	s6 =	rddreg [dreg:$0x4]  }
0x8f: {  	[tilespmem:s17], [sflag:$0x2] =	stream.indirect.gather [hbm4b:s6+s10], $0x40, s10, s10, $0xb8;
	[tilespmem:$0xC300] =	vst v63  }
0x90: {  	s3 =	rddreg [dreg:$0x5]  }
0x91: {  	[tilespmem:s18], [sflag:$0x2] =	stream.indirect.gather [hbm4b:s3+s10], $0x40, s11, s10, $0xb8;
	[tilespmem:$0xC300] =	vst v63  }
0x92: {  	s7 =	rddreg [dreg:$0x6]  }
0x93: {  	[tilespmem:s19], [sflag:$0x2] =	stream.indirect.gather [hbm4b:s7+s10], $0x40, s12, s10, $0xb8;
	[tilespmem:$0xC300] =	vst v63  }
0x94: {  	s3 =	rddreg [dreg:$0x7]  }
0x95: {  	[tilespmem:s20], [sflag:$0x2] =	stream.indirect.gather [hbm4b:s3+s10], $0x40, s13, s10, $0xb8;
	[tilespmem:$0xC300] =	vst v63  }
0x96: {  	s7 =	rddreg [dreg:$0x8]  }
0x97: {  	[tilespmem:s21], [sflag:$0x2] =	stream.indirect.gather [hbm4b:s7+s10], $0x40, s14, s10, $0xb8;
	[tilespmem:$0xC300] =	vst v63  }
0x98: {  	_ =	swait.ge [sflag:s22], $0x2000  }
0x99: {  	[sflag:s22] =	ssyncset.done $0x0  }
0x9a: {  	[sflag:s22] =	ssyncadd.s32 $0xFFFFE000  }
0x9b: {  	_ =	swait.ge [sflag:s22], $0x2000  }
0x9c: {  	[sflag:s22] =	ssyncset.done $0x0  }
0x9d: {  	[sflag:s22] =	ssyncadd.s32 $0xFFFFE000  }
0x9e: {  	_ =	swait.ge [sflag:s22], $0x2000  }
0x9f: {  	[sflag:s22] =	ssyncset.done $0x0  }
0xa0: {  	[sflag:s22] =	ssyncadd.s32 $0xFFFFE000  }
0xa1: {  	_ =	swait.ge [sflag:s22], $0x2000  }
0xa2: {  	[sflag:s22] =	ssyncset.done $0x0  }
0xa3: {  	[sflag:s22] =	ssyncadd.s32 $0xFFFFE000  }
0xa4: {  	_ =	swait.ge [sflag:s22], $0x2000  }
0xa5: {  	[sflag:s22] =	ssyncset.done $0x0  }
0xa6: {  	[sflag:s22] =	ssyncadd.s32 $0xFFFFE000  }
0xa7: {  	_ =	swait.ge [sflag:s22], $0x2000  }
0xa8: {  	s2 =	smov.u32 s25;
	s7 =	rddreg [dreg:$0xe];
	[sflag:s22] =	ssyncset.done $0x0  }
0xa9: {  	s6 =	rddreg [dreg:$0xd];
	[sflag:s22] =	ssyncadd.s32 $0xFFFFE000;
	s3 =	sadd.s32 s2, s7  }
0xaa: {  	[hbm4b:s3+s1] =	stream.linear.scatter [tilespmem:s16], [sflag:$0x3], $0x2000, $0x38;
	[tilespmem:$0xC300] =	vst v63  }
0xab: {  	s7 =	rddreg [dreg:$0xc];
	s3 =	sadd.s32 s2, s6  }
0xac: {  	[hbm4b:s3+s1] =	stream.linear.scatter [tilespmem:s17], [sflag:$0x3], $0x2000, $0x38;
	[tilespmem:$0xC300] =	vst v63  }
0xad: {  	s6 =	rddreg [dreg:$0xb];
	s3 =	sadd.s32 s2, s7  }
0xae: {  	[hbm4b:s3+s1] =	stream.linear.scatter [tilespmem:s18], [sflag:$0x3], $0x2000, $0x38;
	[tilespmem:$0xC300] =	vst v63  }
0xaf: {  	s7 =	rddreg [dreg:$0xa];
	s3 =	sadd.s32 s2, s6  }
0xb0: {  	[hbm4b:s3+s1] =	stream.linear.scatter [tilespmem:s19], [sflag:$0x3], $0x2000, $0x38;
	[tilespmem:$0xC300] =	vst v63  }
0xb1: {  	s7 =	sadd.s32 s2, s7;
	s6 =	rddreg [dreg:$0x9]  }
0xb2: {  	[hbm4b:s7+s1] =	stream.linear.scatter [tilespmem:s20], [sflag:$0x3], $0x2000, $0x38;
	[tilespmem:$0xC300] =	vst v63  }
0xb3: {  	s2 =	sadd.s32 s2, s6  }
0xb4: {  	[hbm4b:s2+s1] =	stream.linear.scatter [tilespmem:s21], [sflag:$0x3], $0x2000, $0x38;
	[tilespmem:$0xC300] =	vst v63  }
0xb5: {  	_ =	swait.ge [sflag:s23], $0x2000  }
0xb6: {  	[sflag:s23] =	ssyncset.done $0x0  }
0xb7: {  	[sflag:s23] =	ssyncadd.s32 $0xFFFFE000  }
0xb8: {  	_ =	swait.ge [sflag:s23], $0x2000  }
0xb9: {  	[sflag:s23] =	ssyncset.done $0x0  }
0xba: {  	[sflag:s23] =	ssyncadd.s32 $0xFFFFE000  }
0xbb: {  	_ =	swait.ge [sflag:s23], $0x2000  }
0xbc: {  	[sflag:s23] =	ssyncset.done $0x0  }
0xbd: {  	[sflag:s23] =	ssyncadd.s32 $0xFFFFE000  }
0xbe: {  	_ =	swait.ge [sflag:s23], $0x2000  }
0xbf: {  	[sflag:s23] =	ssyncset.done $0x0  }
0xc0: {  	p0 =	sne.s32 s25, $0xC400;
	[sflag:s23] =	ssyncadd.s32 $0xFFFFE000  }
.Ltmp0:
0xc1: {  	_ =	swait.ge [sflag:s23], $0x2000;
	(pc) =	sbr.rel @p0 .LBB2_2-.Ltmp0, $4  }
0xc2: {  	[sflag:s23] =	ssyncset.done $0x0  }
0xc3: {  	s25 =	sadd.s32 $0x400, s25;
	[sflag:s23] =	ssyncadd.s32 $0xFFFFE000  }
0xc4: {  	s28 =	sadd.s32 $0x10, s28;
	s26 =	sadd.s32 $0x10, s26;
	_ =	swait.ge [sflag:s23], $0x2000  }
0xc5: {  	s30 =	sadd.s32 $0x10, s30;
	s29 =	sadd.s32 $0x10, s29;
	[sflag:s23] =	ssyncset.done $0x0  }
0xc6: {  	s24 =	sadd.s32 $0x1, s24;
	s2 =	rddreg [dreg:$0xf]  }
0xc7: {  	p0 =	sne.s32 s24, s2  }
.Ltmp1:
0xc8: {  	_ = 	snop;
	(pc) =	sbr.rel @p0 .LBB2_1-.Ltmp1, $2  }
0xc9: {  	_ =	sdelay $0x2  }
0xca: {  	[sflag:s23] =	ssyncadd.s32 $0xFFFFE000  }
0xcb: {  	_ =	sfence.sel $0x180000  }
0xcc: {  	[bflag:$0x0] =	sbarrier.arrive $0xFFFF  }
0xcd: {  	_ =	strace $0x90000047  }
0xce: {  	s0 =	stileid.u32;
	[bflag:$0x2] =	sbarrier.arrive $0xFFFF  }
0xcf: {  	p0 =	sne.s32 s0, $0x0;
	s0 =	rddreg [dreg:$0x2]  }
0xd0: {  	s0 =	sadd.s32 @!p0 $0x100000, s0  }
0xd1: {  	[sflag:s0] =	ssyncadd.tile.s32 @!p0 $0x1;
	_ =	shalt  }
.Lfunc_end2:
_tile_overlayer_lowered:
.L_overlay_start_2:
0xd2: {  	(tag) =	ssettag $0x2  }
0xd3: {  	s0 =	rddreg [dreg:$0x0];
	s2 =	stileid.u32  }
0xd4: {  	s1 =	rddreg [dreg:$0x1];
	p0 =	sne.s32 s2, $0x0  }
0xd5: {  	s3 =	rddreg [dreg:$0x2];
	[bflag:$0x3] =	sbarrier.arrive $0xFFFF;
	s2 =	simm.s32 @!p0 $0x1C04  }
0xd6: {  	[timem:s3], [sflag:s2] =	dma.local @!p0 [hbm:s0], s1  }
0xd7: {  	s0 =	simm.s32 @!p0 $0x4  }
0xd8: {  	_ =	swait.ge @!p0 [sflag:s0], s1  }
0xd9: {  	s1 =	ssub.s32 @!p0 $0x0, s1;
	[sflag:s0] =	ssyncset.done @!p0 $0x0  }
0xda: {  	[sflag:s0] =	ssyncadd.s32 @!p0 s1  }
0xdb: {  	[bflag:$0x3] =	sbarrier.arrive $0xFFFF  }
0xdc: {  	_ =	shalt  }

</sc_bundles>
